<compile_context>
chip_gen: v7x
topology: tpu7x:2x2x1
jax: 0.10.2.dev20260603
libtpu: 0.0.44.dev20260713+nightly
codegen_flags: <defaults>
</compile_context>

<pallas_src>
import jax
import jax.numpy as jnp
from jax import lax
from jax.experimental import pallas as pl
from jax.experimental.pallas import tpu as pltpu
from jax.experimental.pallas import tpu_sc as plsc

N_NODES = 10000
N_EDGES = 320000
D_FEAT = 128
OUT_DIM = 128
BN_EPS = 1e-3
INV_STD = 1.0 / (1.0 + BN_EPS) ** 0.5

NUM_CORES = 2
NUM_SUBCORES = 16
NUM_TILES = NUM_CORES * NUM_SUBCORES

E_PER_TILE = N_EDGES // NUM_TILES
CHUNK = 40
N_CHUNKS = E_PER_TILE // CHUNK
N_PAD = 10240
ROWS_PER_TILE = N_PAD // NUM_SUBCORES
RBUF = 3
IBUF = 4


def _seg_sum_body(dst_hbm, src_hbm, x_hbm, out_hbm,
                  agg_sh, dsti, srci, rows_v, isem, gsem, ssem):
    c = lax.axis_index("c")
    s = lax.axis_index("s")
    w = c * NUM_SUBCORES + s
    base = w * E_PER_TILE
    r0 = s * ROWS_PER_TILE

    zv = jnp.zeros((16,), jnp.float32)

    def zrow(i, carry):
        rows_v[0, lax.div(i, 8), pl.ds(lax.rem(i, 8) * 16, 16)] = zv
        return carry

    lax.fori_loop(0, CHUNK * 8, zrow, 0)
    for k in range(ROWS_PER_TILE // CHUNK):
        pltpu.sync_copy(rows_v.at[0],
                        agg_sh.at[pl.ds(r0 + k * CHUNK, CHUNK)])
    plsc.subcore_barrier()

    for k in range(RBUF):
        pltpu.async_copy(dst_hbm.at[pl.ds(base + k * CHUNK, CHUNK)],
                         dsti.at[k], isem)
        pltpu.async_copy(src_hbm.at[pl.ds(base + k * CHUNK, CHUNK)],
                         srci.at[k], isem)
    for k in range(RBUF - 1):
        pltpu.make_async_copy(dst_hbm.at[pl.ds(0, CHUNK)],
                              dsti.at[k], isem).wait()
        pltpu.make_async_copy(dst_hbm.at[pl.ds(0, CHUNK)],
                              srci.at[k], isem).wait()
        pltpu.async_copy(agg_sh.at[srci.at[k]], rows_v.at[k], gsem)

    def body(j, carry):
        b = lax.rem(j, RBUF)
        i = lax.rem(j, IBUF)
        pltpu.make_async_copy(x_hbm.at[pl.ds(0, CHUNK)],
                              rows_v.at[b], gsem).wait()
        pltpu.async_copy(rows_v.at[b], agg_sh.at[dsti.at[i]], ssem, add=True)

        @pl.when(j >= 1)
        def _drain():
            pltpu.make_async_copy(x_hbm.at[pl.ds(0, CHUNK)],
                                  rows_v.at[b], ssem).wait()

        @pl.when(j + IBUF - 1 < N_CHUNKS)
        def _fire_idx():
            i3 = lax.rem(j + IBUF - 1, IBUF)
            b3 = base + (j + IBUF - 1) * CHUNK
            pltpu.async_copy(dst_hbm.at[pl.ds(b3, CHUNK)], dsti.at[i3], isem)
            pltpu.async_copy(src_hbm.at[pl.ds(b3, CHUNK)], srci.at[i3], isem)

        @pl.when(j + RBUF - 1 < N_CHUNKS)
        def _fire_gather():
            i2 = lax.rem(j + RBUF - 1, IBUF)
            b2 = lax.rem(j + RBUF - 1, RBUF)
            pltpu.make_async_copy(dst_hbm.at[pl.ds(0, CHUNK)],
                                  dsti.at[i2], isem).wait()
            pltpu.make_async_copy(dst_hbm.at[pl.ds(0, CHUNK)],
                                  srci.at[i2], isem).wait()
            pltpu.async_copy(agg_sh.at[srci.at[i2]], rows_v.at[b2], gsem)

        return carry

    lax.fori_loop(0, N_CHUNKS, body, 0)
    pltpu.make_async_copy(x_hbm.at[pl.ds(0, CHUNK)],
                          rows_v.at[0], ssem).wait()

    plsc.subcore_barrier()
    pltpu.sync_copy(agg_sh.at[pl.ds(r0, ROWS_PER_TILE)],
                    out_hbm.at[c, pl.ds(r0, ROWS_PER_TILE)])


def _segment_sum_sc(dst, src, x):
    mesh = plsc.VectorSubcoreMesh(core_axis_name="c", subcore_axis_name="s")
    f = pl.kernel(
        _seg_sum_body,
        out_type=jax.ShapeDtypeStruct((NUM_CORES, N_PAD, D_FEAT),
                                      jnp.float32),
        mesh=mesh,
        scratch_types=[
            pltpu.VMEM_SHARED((N_PAD, D_FEAT), jnp.float32),
            pltpu.VMEM((IBUF, CHUNK), jnp.int32),
            pltpu.VMEM((IBUF, CHUNK), jnp.int32),
            pltpu.VMEM((RBUF, CHUNK, D_FEAT), jnp.float32),
            pltpu.SemaphoreType.DMA,
            pltpu.SemaphoreType.DMA,
            pltpu.SemaphoreType.DMA,
        ],
    )
    return f(dst, src, x)


def _mlp_body(p_ref, w1_ref, w2_ref, g_ref, b_ref, o_ref):
    h = p_ref[0] + p_ref[1]
    h1 = jnp.dot(h, w1_ref[...], preferred_element_type=jnp.float32)
    h1 = g_ref[...] * (h1 * INV_STD) + b_ref[...]
    h1 = jnp.maximum(h1, 0.0)
    o_ref[...] = jnp.dot(h1, w2_ref[...], preferred_element_type=jnp.float32)


def _mlp_tc(partials, W1, W2, gamma, beta):
    R = 1000
    grid = (N_NODES // R,)
    return pl.pallas_call(
        _mlp_body,
        grid=grid,
        in_specs=[
            pl.BlockSpec((NUM_CORES, R, D_FEAT), lambda i: (0, i, 0)),
            pl.BlockSpec((D_FEAT, OUT_DIM), lambda i: (0, 0)),
            pl.BlockSpec((OUT_DIM, OUT_DIM), lambda i: (0, 0)),
            pl.BlockSpec((1, OUT_DIM), lambda i: (0, 0)),
            pl.BlockSpec((1, OUT_DIM), lambda i: (0, 0)),
        ],
        out_specs=pl.BlockSpec((R, OUT_DIM), lambda i: (i, 0)),
        out_shape=jax.ShapeDtypeStruct((N_NODES, OUT_DIM), jnp.float32),
    )(partials, W1, W2, gamma.reshape(1, OUT_DIM), beta.reshape(1, OUT_DIM))


def kernel(x, edge_index, W1, W2, gamma, beta):
    dst = edge_index[0]
    src = edge_index[1]
    partials = _segment_sum_sc(dst, src, x)
    return _mlp_tc(partials, W1, W2, gamma, beta)

# --- scband reference (transcript-rebuilt; emitter-appended) ---
"""Pipeline reference for scband-graph-isomorphism-layer-21887153341120 (READ-ONLY COPY).

The authoritative reference and input builder live on the scoring server;
editing this copy changes nothing except your own understanding.
"""

import jax, jax.numpy as jnp
import numpy as np

N_NODES = 10000
N_EDGES = 320000
D_FEAT = 128
OUT_DIM = 128
BN_EPS = 1e-3  # keras BatchNormalization default epsilon
EPS_GIN = 0.0  # learn_eps=False -> eps is the constant 0


def setup_inputs(seed: int = 0) -> dict:
    key = jax.random.key(seed)
    k1, k2, k3, k4 = jax.random.split(key, 4)
    x = jax.random.normal(k1, (N_NODES, D_FEAT), dtype=jnp.float32)
    # edge_index[0] = destination (row of adjacency), edge_index[1] = source (col)
    edge_index = jax.random.randint(k2, (2, N_EDGES), 0, N_NODES, dtype=jnp.int32)
    # MLP weights (mlp_layers=2): W1 [d_feat, out], W2 [out, out]
    W1 = jax.random.normal(k3, (D_FEAT, OUT_DIM), dtype=jnp.float32) * 0.05
    W2 = jax.random.normal(k4, (OUT_DIM, OUT_DIM), dtype=jnp.float32) * 0.05
    # BatchNorm params at init, inference mode: gamma=1, beta=0, moving_mean=0, moving_var=1
    gamma = jnp.ones((OUT_DIM,), dtype=jnp.float32)
    beta = jnp.zeros((OUT_DIM,), dtype=jnp.float32)
    return {"x": x, "edge_index": edge_index, "W1": W1, "W2": W2, "gamma": gamma, "beta": beta}


def reference(x, edge_index, W1, W2, gamma, beta):
    # Sparse adjacency matmul: (adj @ x) implemented as gather + scatter-add (segment_sum)
    dst = edge_index[0]
    src = edge_index[1]
    gathered = jnp.take(x, src, axis=0)                       # gather -> SparseCore
    agg = jax.ops.segment_sum(gathered, dst, num_segments=N_NODES)  # scatter-add
    h = agg + EPS_GIN * x
    # MLP layer 1: matmul -> batchnorm (inference stats: mean=0, var=1) -> relu -> dropout(identity at inference)
    h = jnp.matmul(h, W1)
    inv_std = 1.0 / jnp.sqrt(1.0 + BN_EPS)
    h = gamma * (h * inv_std) + beta
    h = jax.nn.relu(h)
    # final linear
    out = jnp.matmul(h, W2)
    return out

if __name__ == "__main__":
    import jax
    _d = setup_inputs()
    print(jax.jit(kernel)(*tuple(_d.values())))

</pallas_src>

<mosaic_0001>
#map = affine_map<(d0, d1) -> (0)>
#map1 = affine_map<(d0, d1) -> (0, 0)>
#map2 = affine_map<(d0, d1) -> (0, 0, 0)>
module attributes {stable_mosaic.version = 14 : i64} {
  func.func @_seg_sum_body(%arg0: i32, %arg1: i32, %arg2: memref<320000xi32, #tpu.memory_space<hbm>>, %arg3: memref<320000xi32, #tpu.memory_space<hbm>>, %arg4: memref<10000x128xf32, #tpu.memory_space<hbm>>, %arg5: memref<2x10240x128xf32, #tpu.memory_space<hbm>>, %arg6: memref<10240x128xf32, #tpu.memory_space<vmem_shared>>, %arg7: memref<4x40xi32, #tpu.memory_space<vmem>>, %arg8: memref<4x40xi32, #tpu.memory_space<vmem>>, %arg9: memref<3x40x128xf32, #tpu.memory_space<vmem>>, %arg10: memref<!tpu.dma_semaphore, #tpu.memory_space<semaphore_mem>>, %arg11: memref<!tpu.dma_semaphore, #tpu.memory_space<semaphore_mem>>, %arg12: memref<!tpu.dma_semaphore, #tpu.memory_space<semaphore_mem>>) attributes {dimension_semantics = [#tpu.dimension_semantics<core_parallel>, #tpu.dimension_semantics<subcore_parallel>], iteration_bounds = array<i64: 2, 16>, scalar_prefetch = 0 : i64, scratch_operands = 7 : i64, tpu.core_type = #tpu.core_type<sc_vector_subcore>, window_params = [{transform_indices = #map}, {transform_indices = #map}, {transform_indices = #map1}, {transform_indices = #map2}]} {
    %mul3A = arith.constant 16 : i32
    %mul3A_0 = arith.muli %arg0, %mul3A : i32
    %add3A = arith.addi %mul3A_0, %arg1 : i32
    %mul3A_1 = arith.constant 10000 : i32
    %mul3A_2 = arith.muli %add3A, %mul3A_1 : i32
    %mul3A_3 = arith.constant 640 : i32
    %mul3A_4 = arith.muli %arg1, %mul3A_3 : i32
    %broadcast_in_dim3A = arith.constant 0.000000e+00 : f32
    %broadcast_in_dim3A_5 = vector.broadcast %broadcast_in_dim3A : f32 to vector<16xf32>
    %scan3A = arith.constant 0 : i32
    %scan3A_6 = arith.constant 0 : i32
    %scan3A_7 = arith.constant 320 : i32
    %scan3A_8 = arith.addi %scan3A_6, %scan3A_7 : i32
    %scan3A_9 = arith.constant 1 : i32
    scf.for %scan3A_212 = %scan3A_6 to %scan3A_8 step %scan3A_9  : i32 {
      %div3A = arith.constant 8 : i32
      %div3A_213 = arith.divsi %scan3A_212, %div3A : i32
      %rem3A = arith.constant 8 : i32
      %rem3A_214 = arith.remsi %scan3A_212, %rem3A : i32
      %mul3A_215 = arith.constant 16 : i32
      %mul3A_216 = arith.muli %rem3A_214, %mul3A_215 : i32
      %swap3A = arith.constant 0 : i32
      %swap3A_217 = arith.index_cast %swap3A : i32 to index
      %swap3A_218 = arith.index_cast %div3A_213 : i32 to index
      %swap3A_219 = arith.index_cast %mul3A_216 : i32 to index
      %swap3A_220 = tpu.vector_load %arg9[%swap3A_217, %swap3A_218, %swap3A_219] {strides = array<i32>} : memref<3x40x128xf32, #tpu.memory_space<vmem>>, vector<1x1x16xf32>,
      %swap3A_221 = vector.shape_cast %swap3A_220 : vector<1x1x16xf32> to vector<16xf32>
      %swap3A_222 = vector.shape_cast %broadcast_in_dim3A_5 : vector<16xf32> to vector<1x1x16xf32>
      tpu.vector_store %arg9[%swap3A_217, %swap3A_218, %swap3A_219], %swap3A_222 {strides = array<i32>} : memref<3x40x128xf32, #tpu.memory_space<vmem>>, vector<1x1x16xf32>,
    }
    %scan3A_10 = arith.constant 320 : i32
    %add3A_11 = arith.constant 0 : i32
    %add3A_12 = arith.addi %mul3A_4, %add3A_11 : i32
    %run_scoped3A = arith.constant 0 : i32
    "tpu.region"() ({
      %run_scoped3A_212 = tpu.sem_alloc : memref<!tpu.dma_semaphore, #tpu.memory_space<semaphore_mem>>
      %dma_start3A_213 = arith.constant 0 : i32
      %dma_start3A_214 = arith.constant 0 : i32
      %dma_start3A_215 = tpu.memref_slice %arg9[%run_scoped3A, %dma_start3A_213, %dma_start3A_214] : memref<3x40x128xf32, #tpu.memory_space<vmem>> -> memref<1x40x128xf32, #tpu.memory_space<vmem>>
      %dma_start3A_216 = tpu.memref_squeeze %dma_start3A_215 : memref<1x40x128xf32, #tpu.memory_space<vmem>> -> memref<40x128xf32, #tpu.memory_space<vmem>>
      %dma_start3A_217 = arith.constant 0 : i32
      %dma_start3A_218 = tpu.memref_slice %arg6[%add3A_12, %dma_start3A_217] : memref<10240x128xf32, #tpu.memory_space<vmem_shared>> -> memref<40x128xf32, #tpu.memory_space<vmem_shared>>
      %dma_start3A_219 = arith.constant 0 : i32
      %dma_start3A_220 = tpu.memref_slice %arg6[%add3A_12, %dma_start3A_219] : memref<10240x128xf32, #tpu.memory_space<vmem_shared>> -> memref<40x128xf32, #tpu.memory_space<vmem_shared>>
      %dma_start3A_221 = arith.constant 0 : i32
      %dma_start3A_222 = arith.constant 0 : i32
      %dma_start3A_223 = tpu.memref_slice %arg9[%run_scoped3A, %dma_start3A_221, %dma_start3A_222] : memref<3x40x128xf32, #tpu.memory_space<vmem>> -> memref<1x40x128xf32, #tpu.memory_space<vmem>>
      %dma_start3A_224 = tpu.memref_squeeze %dma_start3A_223 : memref<1x40x128xf32, #tpu.memory_space<vmem>> -> memref<40x128xf32, #tpu.memory_space<vmem>>
      tpu.enqueue_dma source(%dma_start3A_224 : memref<40x128xf32, #tpu.memory_space<vmem>>) target(%dma_start3A_220 : memref<40x128xf32, #tpu.memory_space<vmem_shared>>) target_semaphore(%run_scoped3A_212 : memref<!tpu.dma_semaphore, #tpu.memory_space<semaphore_mem>>)
      %dma_wait3A_225 = arith.constant 0 : i32
      %dma_wait3A_226 = arith.constant 0 : i32
      %dma_wait3A_227 = tpu.memref_slice %arg9[%run_scoped3A, %dma_wait3A_225, %dma_wait3A_226] : memref<3x40x128xf32, #tpu.memory_space<vmem>> -> memref<1x40x128xf32, #tpu.memory_space<vmem>>
      %dma_wait3A_228 = tpu.memref_squeeze %dma_wait3A_227 : memref<1x40x128xf32, #tpu.memory_space<vmem>> -> memref<40x128xf32, #tpu.memory_space<vmem>>
      %dma_wait3A_229 = arith.constant 0 : i32
      %dma_wait3A_230 = tpu.memref_slice %arg6[%add3A_12, %dma_wait3A_229] : memref<10240x128xf32, #tpu.memory_space<vmem_shared>> -> memref<40x128xf32, #tpu.memory_space<vmem_shared>>
      %dma_wait3A_231 = arith.constant 0 : i32
      %dma_wait3A_232 = tpu.memref_slice %arg6[%add3A_12, %dma_wait3A_231] : memref<10240x128xf32, #tpu.memory_space<vmem_shared>> -> memref<40x128xf32, #tpu.memory_space<vmem_shared>>
      %dma_wait3A_233 = arith.constant 0 : i32
      %dma_wait3A_234 = arith.constant 0 : i32
      %dma_wait3A_235 = tpu.memref_slice %arg9[%run_scoped3A, %dma_wait3A_233, %dma_wait3A_234] : memref<3x40x128xf32, #tpu.memory_space<vmem>> -> memref<1x40x128xf32, #tpu.memory_space<vmem>>
      %dma_wait3A_236 = tpu.memref_squeeze %dma_wait3A_235 : memref<1x40x128xf32, #tpu.memory_space<vmem>> -> memref<40x128xf32, #tpu.memory_space<vmem>>
      tpu.wait_dma2 semaphore(%run_scoped3A_212 : memref<!tpu.dma_semaphore, #tpu.memory_space<semaphore_mem>>) src(%dma_wait3A_236 : memref<40x128xf32, #tpu.memory_space<vmem>>) dst(%dma_wait3A_232 : memref<40x128xf32, #tpu.memory_space<vmem_shared>>)
      tpu.yield
    }) : () -> ()
    %add3A_13 = arith.constant 40 : i32
    %add3A_14 = arith.addi %mul3A_4, %add3A_13 : i32
    %run_scoped3A_15 = arith.constant 0 : i32
    "tpu.region"() ({
      %run_scoped3A_212 = tpu.sem_alloc : memref<!tpu.dma_semaphore, #tpu.memory_space<semaphore_mem>>
      %dma_start3A_213 = arith.constant 0 : i32
      %dma_start3A_214 = arith.constant 0 : i32
      %dma_start3A_215 = tpu.memref_slice %arg9[%run_scoped3A_15, %dma_start3A_213, %dma_start3A_214] : memref<3x40x128xf32, #tpu.memory_space<vmem>> -> memref<1x40x128xf32, #tpu.memory_space<vmem>>
      %dma_start3A_216 = tpu.memref_squeeze %dma_start3A_215 : memref<1x40x128xf32, #tpu.memory_space<vmem>> -> memref<40x128xf32, #tpu.memory_space<vmem>>
      %dma_start3A_217 = arith.constant 0 : i32
      %dma_start3A_218 = tpu.memref_slice %arg6[%add3A_14, %dma_start3A_217] : memref<10240x128xf32, #tpu.memory_space<vmem_shared>> -> memref<40x128xf32, #tpu.memory_space<vmem_shared>>
      %dma_start3A_219 = arith.constant 0 : i32
      %dma_start3A_220 = tpu.memref_slice %arg6[%add3A_14, %dma_start3A_219] : memref<10240x128xf32, #tpu.memory_space<vmem_shared>> -> memref<40x128xf32, #tpu.memory_space<vmem_shared>>
      %dma_start3A_221 = arith.constant 0 : i32
      %dma_start3A_222 = arith.constant 0 : i32
      %dma_start3A_223 = tpu.memref_slice %arg9[%run_scoped3A_15, %dma_start3A_221, %dma_start3A_222] : memref<3x40x128xf32, #tpu.memory_space<vmem>> -> memref<1x40x128xf32, #tpu.memory_space<vmem>>
      %dma_start3A_224 = tpu.memref_squeeze %dma_start3A_223 : memref<1x40x128xf32, #tpu.memory_space<vmem>> -> memref<40x128xf32, #tpu.memory_space<vmem>>
      tpu.enqueue_dma source(%dma_start3A_224 : memref<40x128xf32, #tpu.memory_space<vmem>>) target(%dma_start3A_220 : memref<40x128xf32, #tpu.memory_space<vmem_shared>>) target_semaphore(%run_scoped3A_212 : memref<!tpu.dma_semaphore, #tpu.memory_space<semaphore_mem>>)
      %dma_wait3A_225 = arith.constant 0 : i32
      %dma_wait3A_226 = arith.constant 0 : i32
      %dma_wait3A_227 = tpu.memref_slice %arg9[%run_scoped3A_15, %dma_wait3A_225, %dma_wait3A_226] : memref<3x40x128xf32, #tpu.memory_space<vmem>> -> memref<1x40x128xf32, #tpu.memory_space<vmem>>
      %dma_wait3A_228 = tpu.memref_squeeze %dma_wait3A_227 : memref<1x40x128xf32, #tpu.memory_space<vmem>> -> memref<40x128xf32, #tpu.memory_space<vmem>>
      %dma_wait3A_229 = arith.constant 0 : i32
      %dma_wait3A_230 = tpu.memref_slice %arg6[%add3A_14, %dma_wait3A_229] : memref<10240x128xf32, #tpu.memory_space<vmem_shared>> -> memref<40x128xf32, #tpu.memory_space<vmem_shared>>
      %dma_wait3A_231 = arith.constant 0 : i32
      %dma_wait3A_232 = tpu.memref_slice %arg6[%add3A_14, %dma_wait3A_231] : memref<10240x128xf32, #tpu.memory_space<vmem_shared>> -> memref<40x128xf32, #tpu.memory_space<vmem_shared>>
      %dma_wait3A_233 = arith.constant 0 : i32
      %dma_wait3A_234 = arith.constant 0 : i32
      %dma_wait3A_235 = tpu.memref_slice %arg9[%run_scoped3A_15, %dma_wait3A_233, %dma_wait3A_234] : memref<3x40x128xf32, #tpu.memory_space<vmem>> -> memref<1x40x128xf32, #tpu.memory_space<vmem>>
      %dma_wait3A_236 = tpu.memref_squeeze %dma_wait3A_235 : memref<1x40x128xf32, #tpu.memory_space<vmem>> -> memref<40x128xf32, #tpu.memory_space<vmem>>
      tpu.wait_dma2 semaphore(%run_scoped3A_212 : memref<!tpu.dma_semaphore, #tpu.memory_space<semaphore_mem>>) src(%dma_wait3A_236 : memref<40x128xf32, #tpu.memory_space<vmem>>) dst(%dma_wait3A_232 : memref<40x128xf32, #tpu.memory_space<vmem_shared>>)
      tpu.yield
    }) : () -> ()
    %add3A_16 = arith.constant 80 : i32
    %add3A_17 = arith.addi %mul3A_4, %add3A_16 : i32
    %run_scoped3A_18 = arith.constant 0 : i32
    "tpu.region"() ({
      %run_scoped3A_212 = tpu.sem_alloc : memref<!tpu.dma_semaphore, #tpu.memory_space<semaphore_mem>>
      %dma_start3A_213 = arith.constant 0 : i32
      %dma_start3A_214 = arith.constant 0 : i32
      %dma_start3A_215 = tpu.memref_slice %arg9[%run_scoped3A_18, %dma_start3A_213, %dma_start3A_214] : memref<3x40x128xf32, #tpu.memory_space<vmem>> -> memref<1x40x128xf32, #tpu.memory_space<vmem>>
      %dma_start3A_216 = tpu.memref_squeeze %dma_start3A_215 : memref<1x40x128xf32, #tpu.memory_space<vmem>> -> memref<40x128xf32, #tpu.memory_space<vmem>>
      %dma_start3A_217 = arith.constant 0 : i32
      %dma_start3A_218 = tpu.memref_slice %arg6[%add3A_17, %dma_start3A_217] : memref<10240x128xf32, #tpu.memory_space<vmem_shared>> -> memref<40x128xf32, #tpu.memory_space<vmem_shared>>
      %dma_start3A_219 = arith.constant 0 : i32
      %dma_start3A_220 = tpu.memref_slice %arg6[%add3A_17, %dma_start3A_219] : memref<10240x128xf32, #tpu.memory_space<vmem_shared>> -> memref<40x128xf32, #tpu.memory_space<vmem_shared>>
      %dma_start3A_221 = arith.constant 0 : i32
      %dma_start3A_222 = arith.constant 0 : i32
      %dma_start3A_223 = tpu.memref_slice %arg9[%run_scoped3A_18, %dma_start3A_221, %dma_start3A_222] : memref<3x40x128xf32, #tpu.memory_space<vmem>> -> memref<1x40x128xf32, #tpu.memory_space<vmem>>
      %dma_start3A_224 = tpu.memref_squeeze %dma_start3A_223 : memref<1x40x128xf32, #tpu.memory_space<vmem>> -> memref<40x128xf32, #tpu.memory_space<vmem>>
      tpu.enqueue_dma source(%dma_start3A_224 : memref<40x128xf32, #tpu.memory_space<vmem>>) target(%dma_start3A_220 : memref<40x128xf32, #tpu.memory_space<vmem_shared>>) target_semaphore(%run_scoped3A_212 : memref<!tpu.dma_semaphore, #tpu.memory_space<semaphore_mem>>)
      %dma_wait3A_225 = arith.constant 0 : i32
      %dma_wait3A_226 = arith.constant 0 : i32
      %dma_wait3A_227 = tpu.memref_slice %arg9[%run_scoped3A_18, %dma_wait3A_225, %dma_wait3A_226] : memref<3x40x128xf32, #tpu.memory_space<vmem>> -> memref<1x40x128xf32, #tpu.memory_space<vmem>>
      %dma_wait3A_228 = tpu.memref_squeeze %dma_wait3A_227 : memref<1x40x128xf32, #tpu.memory_space<vmem>> -> memref<40x128xf32, #tpu.memory_space<vmem>>
      %dma_wait3A_229 = arith.constant 0 : i32
      %dma_wait3A_230 = tpu.memref_slice %arg6[%add3A_17, %dma_wait3A_229] : memref<10240x128xf32, #tpu.memory_space<vmem_shared>> -> memref<40x128xf32, #tpu.memory_space<vmem_shared>>
      %dma_wait3A_231 = arith.constant 0 : i32
      %dma_wait3A_232 = tpu.memref_slice %arg6[%add3A_17, %dma_wait3A_231] : memref<10240x128xf32, #tpu.memory_space<vmem_shared>> -> memref<40x128xf32, #tpu.memory_space<vmem_shared>>
      %dma_wait3A_233 = arith.constant 0 : i32
      %dma_wait3A_234 = arith.constant 0 : i32
      %dma_wait3A_235 = tpu.memref_slice %arg9[%run_scoped3A_18, %dma_wait3A_233, %dma_wait3A_234] : memref<3x40x128xf32, #tpu.memory_space<vmem>> -> memref<1x40x128xf32, #tpu.memory_space<vmem>>
      %dma_wait3A_236 = tpu.memref_squeeze %dma_wait3A_235 : memref<1x40x128xf32, #tpu.memory_space<vmem>> -> memref<40x128xf32, #tpu.memory_space<vmem>>
      tpu.wait_dma2 semaphore(%run_scoped3A_212 : memref<!tpu.dma_semaphore, #tpu.memory_space<semaphore_mem>>) src(%dma_wait3A_236 : memref<40x128xf32, #tpu.memory_space<vmem>>) dst(%dma_wait3A_232 : memref<40x128xf32, #tpu.memory_space<vmem_shared>>)
      tpu.yield
    }) : () -> ()
    %add3A_19 = arith.constant 120 : i32
    %add3A_20 = arith.addi %mul3A_4, %add3A_19 : i32
    %run_scoped3A_21 = arith.constant 0 : i32
    "tpu.region"() ({
      %run_scoped3A_212 = tpu.sem_alloc : memref<!tpu.dma_semaphore, #tpu.memory_space<semaphore_mem>>
      %dma_start3A_213 = arith.constant 0 : i32
      %dma_start3A_214 = arith.constant 0 : i32
      %dma_start3A_215 = tpu.memref_slice %arg9[%run_scoped3A_21, %dma_start3A_213, %dma_start3A_214] : memref<3x40x128xf32, #tpu.memory_space<vmem>> -> memref<1x40x128xf32, #tpu.memory_space<vmem>>
      %dma_start3A_216 = tpu.memref_squeeze %dma_start3A_215 : memref<1x40x128xf32, #tpu.memory_space<vmem>> -> memref<40x128xf32, #tpu.memory_space<vmem>>
      %dma_start3A_217 = arith.constant 0 : i32
      %dma_start3A_218 = tpu.memref_slice %arg6[%add3A_20, %dma_start3A_217] : memref<10240x128xf32, #tpu.memory_space<vmem_shared>> -> memref<40x128xf32, #tpu.memory_space<vmem_shared>>
      %dma_start3A_219 = arith.constant 0 : i32
      %dma_start3A_220 = tpu.memref_slice %arg6[%add3A_20, %dma_start3A_219] : memref<10240x128xf32, #tpu.memory_space<vmem_shared>> -> memref<40x128xf32, #tpu.memory_space<vmem_shared>>
      %dma_start3A_221 = arith.constant 0 : i32
      %dma_start3A_222 = arith.constant 0 : i32
      %dma_start3A_223 = tpu.memref_slice %arg9[%run_scoped3A_21, %dma_start3A_221, %dma_start3A_222] : memref<3x40x128xf32, #tpu.memory_space<vmem>> -> memref<1x40x128xf32, #tpu.memory_space<vmem>>
      %dma_start3A_224 = tpu.memref_squeeze %dma_start3A_223 : memref<1x40x128xf32, #tpu.memory_space<vmem>> -> memref<40x128xf32, #tpu.memory_space<vmem>>
      tpu.enqueue_dma source(%dma_start3A_224 : memref<40x128xf32, #tpu.memory_space<vmem>>) target(%dma_start3A_220 : memref<40x128xf32, #tpu.memory_space<vmem_shared>>) target_semaphore(%run_scoped3A_212 : memref<!tpu.dma_semaphore, #tpu.memory_space<semaphore_mem>>)
      %dma_wait3A_225 = arith.constant 0 : i32
      %dma_wait3A_226 = arith.constant 0 : i32
      %dma_wait3A_227 = tpu.memref_slice %arg9[%run_scoped3A_21, %dma_wait3A_225, %dma_wait3A_226] : memref<3x40x128xf32, #tpu.memory_space<vmem>> -> memref<1x40x128xf32, #tpu.memory_space<vmem>>
      %dma_wait3A_228 = tpu.memref_squeeze %dma_wait3A_227 : memref<1x40x128xf32, #tpu.memory_space<vmem>> -> memref<40x128xf32, #tpu.memory_space<vmem>>
      %dma_wait3A_229 = arith.constant 0 : i32
      %dma_wait3A_230 = tpu.memref_slice %arg6[%add3A_20, %dma_wait3A_229] : memref<10240x128xf32, #tpu.memory_space<vmem_shared>> -> memref<40x128xf32, #tpu.memory_space<vmem_shared>>
      %dma_wait3A_231 = arith.constant 0 : i32
      %dma_wait3A_232 = tpu.memref_slice %arg6[%add3A_20, %dma_wait3A_231] : memref<10240x128xf32, #tpu.memory_space<vmem_shared>> -> memref<40x128xf32, #tpu.memory_space<vmem_shared>>
      %dma_wait3A_233 = arith.constant 0 : i32
      %dma_wait3A_234 = arith.constant 0 : i32
      %dma_wait3A_235 = tpu.memref_slice %arg9[%run_scoped3A_21, %dma_wait3A_233, %dma_wait3A_234] : memref<3x40x128xf32, #tpu.memory_space<vmem>> -> memref<1x40x128xf32, #tpu.memory_space<vmem>>
      %dma_wait3A_236 = tpu.memref_squeeze %dma_wait3A_235 : memref<1x40x128xf32, #tpu.memory_space<vmem>> -> memref<40x128xf32, #tpu.memory_space<vmem>>
      tpu.wait_dma2 semaphore(%run_scoped3A_212 : memref<!tpu.dma_semaphore, #tpu.memory_space<semaphore_mem>>) src(%dma_wait3A_236 : memref<40x128xf32, #tpu.memory_space<vmem>>) dst(%dma_wait3A_232 : memref<40x128xf32, #tpu.memory_space<vmem_shared>>)
      tpu.yield
    }) : () -> ()
    %add3A_22 = arith.constant 160 : i32
    %add3A_23 = arith.addi %mul3A_4, %add3A_22 : i32
    %run_scoped3A_24 = arith.constant 0 : i32
    "tpu.region"() ({
      %run_scoped3A_212 = tpu.sem_alloc : memref<!tpu.dma_semaphore, #tpu.memory_space<semaphore_mem>>
      %dma_start3A_213 = arith.constant 0 : i32
      %dma_start3A_214 = arith.constant 0 : i32
      %dma_start3A_215 = tpu.memref_slice %arg9[%run_scoped3A_24, %dma_start3A_213, %dma_start3A_214] : memref<3x40x128xf32, #tpu.memory_space<vmem>> -> memref<1x40x128xf32, #tpu.memory_space<vmem>>
      %dma_start3A_216 = tpu.memref_squeeze %dma_start3A_215 : memref<1x40x128xf32, #tpu.memory_space<vmem>> -> memref<40x128xf32, #tpu.memory_space<vmem>>
      %dma_start3A_217 = arith.constant 0 : i32
      %dma_start3A_218 = tpu.memref_slice %arg6[%add3A_23, %dma_start3A_217] : memref<10240x128xf32, #tpu.memory_space<vmem_shared>> -> memref<40x128xf32, #tpu.memory_space<vmem_shared>>
      %dma_start3A_219 = arith.constant 0 : i32
      %dma_start3A_220 = tpu.memref_slice %arg6[%add3A_23, %dma_start3A_219] : memref<10240x128xf32, #tpu.memory_space<vmem_shared>> -> memref<40x128xf32, #tpu.memory_space<vmem_shared>>
      %dma_start3A_221 = arith.constant 0 : i32
      %dma_start3A_222 = arith.constant 0 : i32
      %dma_start3A_223 = tpu.memref_slice %arg9[%run_scoped3A_24, %dma_start3A_221, %dma_start3A_222] : memref<3x40x128xf32, #tpu.memory_space<vmem>> -> memref<1x40x128xf32, #tpu.memory_space<vmem>>
      %dma_start3A_224 = tpu.memref_squeeze %dma_start3A_223 : memref<1x40x128xf32, #tpu.memory_space<vmem>> -> memref<40x128xf32, #tpu.memory_space<vmem>>
      tpu.enqueue_dma source(%dma_start3A_224 : memref<40x128xf32, #tpu.memory_space<vmem>>) target(%dma_start3A_220 : memref<40x128xf32, #tpu.memory_space<vmem_shared>>) target_semaphore(%run_scoped3A_212 : memref<!tpu.dma_semaphore, #tpu.memory_space<semaphore_mem>>)
      %dma_wait3A_225 = arith.constant 0 : i32
      %dma_wait3A_226 = arith.constant 0 : i32
      %dma_wait3A_227 = tpu.memref_slice %arg9[%run_scoped3A_24, %dma_wait3A_225, %dma_wait3A_226] : memref<3x40x128xf32, #tpu.memory_space<vmem>> -> memref<1x40x128xf32, #tpu.memory_space<vmem>>
      %dma_wait3A_228 = tpu.memref_squeeze %dma_wait3A_227 : memref<1x40x128xf32, #tpu.memory_space<vmem>> -> memref<40x128xf32, #tpu.memory_space<vmem>>
      %dma_wait3A_229 = arith.constant 0 : i32
      %dma_wait3A_230 = tpu.memref_slice %arg6[%add3A_23, %dma_wait3A_229] : memref<10240x128xf32, #tpu.memory_space<vmem_shared>> -> memref<40x128xf32, #tpu.memory_space<vmem_shared>>
      %dma_wait3A_231 = arith.constant 0 : i32
      %dma_wait3A_232 = tpu.memref_slice %arg6[%add3A_23, %dma_wait3A_231] : memref<10240x128xf32, #tpu.memory_space<vmem_shared>> -> memref<40x128xf32, #tpu.memory_space<vmem_shared>>
      %dma_wait3A_233 = arith.constant 0 : i32
      %dma_wait3A_234 = arith.constant 0 : i32
      %dma_wait3A_235 = tpu.memref_slice %arg9[%run_scoped3A_24, %dma_wait3A_233, %dma_wait3A_234] : memref<3x40x128xf32, #tpu.memory_space<vmem>> -> memref<1x40x128xf32, #tpu.memory_space<vmem>>
      %dma_wait3A_236 = tpu.memref_squeeze %dma_wait3A_235 : memref<1x40x128xf32, #tpu.memory_space<vmem>> -> memref<40x128xf32, #tpu.memory_space<vmem>>
      tpu.wait_dma2 semaphore(%run_scoped3A_212 : memref<!tpu.dma_semaphore, #tpu.memory_space<semaphore_mem>>) src(%dma_wait3A_236 : memref<40x128xf32, #tpu.memory_space<vmem>>) dst(%dma_wait3A_232 : memref<40x128xf32, #tpu.memory_space<vmem_shared>>)
      tpu.yield
    }) : () -> ()
    %add3A_25 = arith.constant 200 : i32
    %add3A_26 = arith.addi %mul3A_4, %add3A_25 : i32
    %run_scoped3A_27 = arith.constant 0 : i32
    "tpu.region"() ({
      %run_scoped3A_212 = tpu.sem_alloc : memref<!tpu.dma_semaphore, #tpu.memory_space<semaphore_mem>>
      %dma_start3A_213 = arith.constant 0 : i32
      %dma_start3A_214 = arith.constant 0 : i32
      %dma_start3A_215 = tpu.memref_slice %arg9[%run_scoped3A_27, %dma_start3A_213, %dma_start3A_214] : memref<3x40x128xf32, #tpu.memory_space<vmem>> -> memref<1x40x128xf32, #tpu.memory_space<vmem>>
      %dma_start3A_216 = tpu.memref_squeeze %dma_start3A_215 : memref<1x40x128xf32, #tpu.memory_space<vmem>> -> memref<40x128xf32, #tpu.memory_space<vmem>>
      %dma_start3A_217 = arith.constant 0 : i32
      %dma_start3A_218 = tpu.memref_slice %arg6[%add3A_26, %dma_start3A_217] : memref<10240x128xf32, #tpu.memory_space<vmem_shared>> -> memref<40x128xf32, #tpu.memory_space<vmem_shared>>
      %dma_start3A_219 = arith.constant 0 : i32
      %dma_start3A_220 = tpu.memref_slice %arg6[%add3A_26, %dma_start3A_219] : memref<10240x128xf32, #tpu.memory_space<vmem_shared>> -> memref<40x128xf32, #tpu.memory_space<vmem_shared>>
      %dma_start3A_221 = arith.constant 0 : i32
      %dma_start3A_222 = arith.constant 0 : i32
      %dma_start3A_223 = tpu.memref_slice %arg9[%run_scoped3A_27, %dma_start3A_221, %dma_start3A_222] : memref<3x40x128xf32, #tpu.memory_space<vmem>> -> memref<1x40x128xf32, #tpu.memory_space<vmem>>
      %dma_start3A_224 = tpu.memref_squeeze %dma_start3A_223 : memref<1x40x128xf32, #tpu.memory_space<vmem>> -> memref<40x128xf32, #tpu.memory_space<vmem>>
      tpu.enqueue_dma source(%dma_start3A_224 : memref<40x128xf32, #tpu.memory_space<vmem>>) target(%dma_start3A_220 : memref<40x128xf32, #tpu.memory_space<vmem_shared>>) target_semaphore(%run_scoped3A_212 : memref<!tpu.dma_semaphore, #tpu.memory_space<semaphore_mem>>)
      %dma_wait3A_225 = arith.constant 0 : i32
      %dma_wait3A_226 = arith.constant 0 : i32
      %dma_wait3A_227 = tpu.memref_slice %arg9[%run_scoped3A_27, %dma_wait3A_225, %dma_wait3A_226] : memref<3x40x128xf32, #tpu.memory_space<vmem>> -> memref<1x40x128xf32, #tpu.memory_space<vmem>>
      %dma_wait3A_228 = tpu.memref_squeeze %dma_wait3A_227 : memref<1x40x128xf32, #tpu.memory_space<vmem>> -> memref<40x128xf32, #tpu.memory_space<vmem>>
      %dma_wait3A_229 = arith.constant 0 : i32
      %dma_wait3A_230 = tpu.memref_slice %arg6[%add3A_26, %dma_wait3A_229] : memref<10240x128xf32, #tpu.memory_space<vmem_shared>> -> memref<40x128xf32, #tpu.memory_space<vmem_shared>>
      %dma_wait3A_231 = arith.constant 0 : i32
      %dma_wait3A_232 = tpu.memref_slice %arg6[%add3A_26, %dma_wait3A_231] : memref<10240x128xf32, #tpu.memory_space<vmem_shared>> -> memref<40x128xf32, #tpu.memory_space<vmem_shared>>
      %dma_wait3A_233 = arith.constant 0 : i32
      %dma_wait3A_234 = arith.constant 0 : i32
      %dma_wait3A_235 = tpu.memref_slice %arg9[%run_scoped3A_27, %dma_wait3A_233, %dma_wait3A_234] : memref<3x40x128xf32, #tpu.memory_space<vmem>> -> memref<1x40x128xf32, #tpu.memory_space<vmem>>
      %dma_wait3A_236 = tpu.memref_squeeze %dma_wait3A_235 : memref<1x40x128xf32, #tpu.memory_space<vmem>> -> memref<40x128xf32, #tpu.memory_space<vmem>>
      tpu.wait_dma2 semaphore(%run_scoped3A_212 : memref<!tpu.dma_semaphore, #tpu.memory_space<semaphore_mem>>) src(%dma_wait3A_236 : memref<40x128xf32, #tpu.memory_space<vmem>>) dst(%dma_wait3A_232 : memref<40x128xf32, #tpu.memory_space<vmem_shared>>)
      tpu.yield
    }) : () -> ()
    %add3A_28 = arith.constant 240 : i32
    %add3A_29 = arith.addi %mul3A_4, %add3A_28 : i32
    %run_scoped3A_30 = arith.constant 0 : i32
    "tpu.region"() ({
      %run_scoped3A_212 = tpu.sem_alloc : memref<!tpu.dma_semaphore, #tpu.memory_space<semaphore_mem>>
      %dma_start3A_213 = arith.constant 0 : i32
      %dma_start3A_214 = arith.constant 0 : i32
      %dma_start3A_215 = tpu.memref_slice %arg9[%run_scoped3A_30, %dma_start3A_213, %dma_start3A_214] : memref<3x40x128xf32, #tpu.memory_space<vmem>> -> memref<1x40x128xf32, #tpu.memory_space<vmem>>
      %dma_start3A_216 = tpu.memref_squeeze %dma_start3A_215 : memref<1x40x128xf32, #tpu.memory_space<vmem>> -> memref<40x128xf32, #tpu.memory_space<vmem>>
      %dma_start3A_217 = arith.constant 0 : i32
      %dma_start3A_218 = tpu.memref_slice %arg6[%add3A_29, %dma_start3A_217] : memref<10240x128xf32, #tpu.memory_space<vmem_shared>> -> memref<40x128xf32, #tpu.memory_space<vmem_shared>>
      %dma_start3A_219 = arith.constant 0 : i32
      %dma_start3A_220 = tpu.memref_slice %arg6[%add3A_29, %dma_start3A_219] : memref<10240x128xf32, #tpu.memory_space<vmem_shared>> -> memref<40x128xf32, #tpu.memory_space<vmem_shared>>
      %dma_start3A_221 = arith.constant 0 : i32
      %dma_start3A_222 = arith.constant 0 : i32
      %dma_start3A_223 = tpu.memref_slice %arg9[%run_scoped3A_30, %dma_start3A_221, %dma_start3A_222] : memref<3x40x128xf32, #tpu.memory_space<vmem>> -> memref<1x40x128xf32, #tpu.memory_space<vmem>>
      %dma_start3A_224 = tpu.memref_squeeze %dma_start3A_223 : memref<1x40x128xf32, #tpu.memory_space<vmem>> -> memref<40x128xf32, #tpu.memory_space<vmem>>
      tpu.enqueue_dma source(%dma_start3A_224 : memref<40x128xf32, #tpu.memory_space<vmem>>) target(%dma_start3A_220 : memref<40x128xf32, #tpu.memory_space<vmem_shared>>) target_semaphore(%run_scoped3A_212 : memref<!tpu.dma_semaphore, #tpu.memory_space<semaphore_mem>>)
      %dma_wait3A_225 = arith.constant 0 : i32
      %dma_wait3A_226 = arith.constant 0 : i32
      %dma_wait3A_227 = tpu.memref_slice %arg9[%run_scoped3A_30, %dma_wait3A_225, %dma_wait3A_226] : memref<3x40x128xf32, #tpu.memory_space<vmem>> -> memref<1x40x128xf32, #tpu.memory_space<vmem>>
      %dma_wait3A_228 = tpu.memref_squeeze %dma_wait3A_227 : memref<1x40x128xf32, #tpu.memory_space<vmem>> -> memref<40x128xf32, #tpu.memory_space<vmem>>
      %dma_wait3A_229 = arith.constant 0 : i32
      %dma_wait3A_230 = tpu.memref_slice %arg6[%add3A_29, %dma_wait3A_229] : memref<10240x128xf32, #tpu.memory_space<vmem_shared>> -> memref<40x128xf32, #tpu.memory_space<vmem_shared>>
      %dma_wait3A_231 = arith.constant 0 : i32
      %dma_wait3A_232 = tpu.memref_slice %arg6[%add3A_29, %dma_wait3A_231] : memref<10240x128xf32, #tpu.memory_space<vmem_shared>> -> memref<40x128xf32, #tpu.memory_space<vmem_shared>>
      %dma_wait3A_233 = arith.constant 0 : i32
      %dma_wait3A_234 = arith.constant 0 : i32
      %dma_wait3A_235 = tpu.memref_slice %arg9[%run_scoped3A_30, %dma_wait3A_233, %dma_wait3A_234] : memref<3x40x128xf32, #tpu.memory_space<vmem>> -> memref<1x40x128xf32, #tpu.memory_space<vmem>>
      %dma_wait3A_236 = tpu.memref_squeeze %dma_wait3A_235 : memref<1x40x128xf32, #tpu.memory_space<vmem>> -> memref<40x128xf32, #tpu.memory_space<vmem>>
      tpu.wait_dma2 semaphore(%run_scoped3A_212 : memref<!tpu.dma_semaphore, #tpu.memory_space<semaphore_mem>>) src(%dma_wait3A_236 : memref<40x128xf32, #tpu.memory_space<vmem>>) dst(%dma_wait3A_232 : memref<40x128xf32, #tpu.memory_space<vmem_shared>>)
      tpu.yield
    }) : () -> ()
    %add3A_31 = arith.constant 280 : i32
    %add3A_32 = arith.addi %mul3A_4, %add3A_31 : i32
    %run_scoped3A_33 = arith.constant 0 : i32
    "tpu.region"() ({
      %run_scoped3A_212 = tpu.sem_alloc : memref<!tpu.dma_semaphore, #tpu.memory_space<semaphore_mem>>
      %dma_start3A_213 = arith.constant 0 : i32
      %dma_start3A_214 = arith.constant 0 : i32
      %dma_start3A_215 = tpu.memref_slice %arg9[%run_scoped3A_33, %dma_start3A_213, %dma_start3A_214] : memref<3x40x128xf32, #tpu.memory_space<vmem>> -> memref<1x40x128xf32, #tpu.memory_space<vmem>>
      %dma_start3A_216 = tpu.memref_squeeze %dma_start3A_215 : memref<1x40x128xf32, #tpu.memory_space<vmem>> -> memref<40x128xf32, #tpu.memory_space<vmem>>
      %dma_start3A_217 = arith.constant 0 : i32
      %dma_start3A_218 = tpu.memref_slice %arg6[%add3A_32, %dma_start3A_217] : memref<10240x128xf32, #tpu.memory_space<vmem_shared>> -> memref<40x128xf32, #tpu.memory_space<vmem_shared>>
      %dma_start3A_219 = arith.constant 0 : i32
      %dma_start3A_220 = tpu.memref_slice %arg6[%add3A_32, %dma_start3A_219] : memref<10240x128xf32, #tpu.memory_space<vmem_shared>> -> memref<40x128xf32, #tpu.memory_space<vmem_shared>>
      %dma_start3A_221 = arith.constant 0 : i32
      %dma_start3A_222 = arith.constant 0 : i32
      %dma_start3A_223 = tpu.memref_slice %arg9[%run_scoped3A_33, %dma_start3A_221, %dma_start3A_222] : memref<3x40x128xf32, #tpu.memory_space<vmem>> -> memref<1x40x128xf32, #tpu.memory_space<vmem>>
      %dma_start3A_224 = tpu.memref_squeeze %dma_start3A_223 : memref<1x40x128xf32, #tpu.memory_space<vmem>> -> memref<40x128xf32, #tpu.memory_space<vmem>>
      tpu.enqueue_dma source(%dma_start3A_224 : memref<40x128xf32, #tpu.memory_space<vmem>>) target(%dma_start3A_220 : memref<40x128xf32, #tpu.memory_space<vmem_shared>>) target_semaphore(%run_scoped3A_212 : memref<!tpu.dma_semaphore, #tpu.memory_space<semaphore_mem>>)
      %dma_wait3A_225 = arith.constant 0 : i32
      %dma_wait3A_226 = arith.constant 0 : i32
      %dma_wait3A_227 = tpu.memref_slice %arg9[%run_scoped3A_33, %dma_wait3A_225, %dma_wait3A_226] : memref<3x40x128xf32, #tpu.memory_space<vmem>> -> memref<1x40x128xf32, #tpu.memory_space<vmem>>
      %dma_wait3A_228 = tpu.memref_squeeze %dma_wait3A_227 : memref<1x40x128xf32, #tpu.memory_space<vmem>> -> memref<40x128xf32, #tpu.memory_space<vmem>>
      %dma_wait3A_229 = arith.constant 0 : i32
      %dma_wait3A_230 = tpu.memref_slice %arg6[%add3A_32, %dma_wait3A_229] : memref<10240x128xf32, #tpu.memory_space<vmem_shared>> -> memref<40x128xf32, #tpu.memory_space<vmem_shared>>
      %dma_wait3A_231 = arith.constant 0 : i32
      %dma_wait3A_232 = tpu.memref_slice %arg6[%add3A_32, %dma_wait3A_231] : memref<10240x128xf32, #tpu.memory_space<vmem_shared>> -> memref<40x128xf32, #tpu.memory_space<vmem_shared>>
      %dma_wait3A_233 = arith.constant 0 : i32
      %dma_wait3A_234 = arith.constant 0 : i32
      %dma_wait3A_235 = tpu.memref_slice %arg9[%run_scoped3A_33, %dma_wait3A_233, %dma_wait3A_234] : memref<3x40x128xf32, #tpu.memory_space<vmem>> -> memref<1x40x128xf32, #tpu.memory_space<vmem>>
      %dma_wait3A_236 = tpu.memref_squeeze %dma_wait3A_235 : memref<1x40x128xf32, #tpu.memory_space<vmem>> -> memref<40x128xf32, #tpu.memory_space<vmem>>
      tpu.wait_dma2 semaphore(%run_scoped3A_212 : memref<!tpu.dma_semaphore, #tpu.memory_space<semaphore_mem>>) src(%dma_wait3A_236 : memref<40x128xf32, #tpu.memory_space<vmem>>) dst(%dma_wait3A_232 : memref<40x128xf32, #tpu.memory_space<vmem_shared>>)
      tpu.yield
    }) : () -> ()
    %add3A_34 = arith.constant 320 : i32
    %add3A_35 = arith.addi %mul3A_4, %add3A_34 : i32
    %run_scoped3A_36 = arith.constant 0 : i32
    "tpu.region"() ({
      %run_scoped3A_212 = tpu.sem_alloc : memref<!tpu.dma_semaphore, #tpu.memory_space<semaphore_mem>>
      %dma_start3A_213 = arith.constant 0 : i32
      %dma_start3A_214 = arith.constant 0 : i32
      %dma_start3A_215 = tpu.memref_slice %arg9[%run_scoped3A_36, %dma_start3A_213, %dma_start3A_214] : memref<3x40x128xf32, #tpu.memory_space<vmem>> -> memref<1x40x128xf32, #tpu.memory_space<vmem>>
      %dma_start3A_216 = tpu.memref_squeeze %dma_start3A_215 : memref<1x40x128xf32, #tpu.memory_space<vmem>> -> memref<40x128xf32, #tpu.memory_space<vmem>>
      %dma_start3A_217 = arith.constant 0 : i32
      %dma_start3A_218 = tpu.memref_slice %arg6[%add3A_35, %dma_start3A_217] : memref<10240x128xf32, #tpu.memory_space<vmem_shared>> -> memref<40x128xf32, #tpu.memory_space<vmem_shared>>
      %dma_start3A_219 = arith.constant 0 : i32
      %dma_start3A_220 = tpu.memref_slice %arg6[%add3A_35, %dma_start3A_219] : memref<10240x128xf32, #tpu.memory_space<vmem_shared>> -> memref<40x128xf32, #tpu.memory_space<vmem_shared>>
      %dma_start3A_221 = arith.constant 0 : i32
      %dma_start3A_222 = arith.constant 0 : i32
      %dma_start3A_223 = tpu.memref_slice %arg9[%run_scoped3A_36, %dma_start3A_221, %dma_start3A_222] : memref<3x40x128xf32, #tpu.memory_space<vmem>> -> memref<1x40x128xf32, #tpu.memory_space<vmem>>
      %dma_start3A_224 = tpu.memref_squeeze %dma_start3A_223 : memref<1x40x128xf32, #tpu.memory_space<vmem>> -> memref<40x128xf32, #tpu.memory_space<vmem>>
      tpu.enqueue_dma source(%dma_start3A_224 : memref<40x128xf32, #tpu.memory_space<vmem>>) target(%dma_start3A_220 : memref<40x128xf32, #tpu.memory_space<vmem_shared>>) target_semaphore(%run_scoped3A_212 : memref<!tpu.dma_semaphore, #tpu.memory_space<semaphore_mem>>)
      %dma_wait3A_225 = arith.constant 0 : i32
      %dma_wait3A_226 = arith.constant 0 : i32
      %dma_wait3A_227 = tpu.memref_slice %arg9[%run_scoped3A_36, %dma_wait3A_225, %dma_wait3A_226] : memref<3x40x128xf32, #tpu.memory_space<vmem>> -> memref<1x40x128xf32, #tpu.memory_space<vmem>>
      %dma_wait3A_228 = tpu.memref_squeeze %dma_wait3A_227 : memref<1x40x128xf32, #tpu.memory_space<vmem>> -> memref<40x128xf32, #tpu.memory_space<vmem>>
      %dma_wait3A_229 = arith.constant 0 : i32
      %dma_wait3A_230 = tpu.memref_slice %arg6[%add3A_35, %dma_wait3A_229] : memref<10240x128xf32, #tpu.memory_space<vmem_shared>> -> memref<40x128xf32, #tpu.memory_space<vmem_shared>>
      %dma_wait3A_231 = arith.constant 0 : i32
      %dma_wait3A_232 = tpu.memref_slice %arg6[%add3A_35, %dma_wait3A_231] : memref<10240x128xf32, #tpu.memory_space<vmem_shared>> -> memref<40x128xf32, #tpu.memory_space<vmem_shared>>
      %dma_wait3A_233 = arith.constant 0 : i32
      %dma_wait3A_234 = arith.constant 0 : i32
      %dma_wait3A_235 = tpu.memref_slice %arg9[%run_scoped3A_36, %dma_wait3A_233, %dma_wait3A_234] : memref<3x40x128xf32, #tpu.memory_space<vmem>> -> memref<1x40x128xf32, #tpu.memory_space<vmem>>
      %dma_wait3A_236 = tpu.memref_squeeze %dma_wait3A_235 : memref<1x40x128xf32, #tpu.memory_space<vmem>> -> memref<40x128xf32, #tpu.memory_space<vmem>>
      tpu.wait_dma2 semaphore(%run_scoped3A_212 : memref<!tpu.dma_semaphore, #tpu.memory_space<semaphore_mem>>) src(%dma_wait3A_236 : memref<40x128xf32, #tpu.memory_space<vmem>>) dst(%dma_wait3A_232 : memref<40x128xf32, #tpu.memory_space<vmem_shared>>)
      tpu.yield
    }) : () -> ()
    %add3A_37 = arith.constant 360 : i32
    %add3A_38 = arith.addi %mul3A_4, %add3A_37 : i32
    %run_scoped3A_39 = arith.constant 0 : i32
    "tpu.region"() ({
      %run_scoped3A_212 = tpu.sem_alloc : memref<!tpu.dma_semaphore, #tpu.memory_space<semaphore_mem>>
      %dma_start3A_213 = arith.constant 0 : i32
      %dma_start3A_214 = arith.constant 0 : i32
      %dma_start3A_215 = tpu.memref_slice %arg9[%run_scoped3A_39, %dma_start3A_213, %dma_start3A_214] : memref<3x40x128xf32, #tpu.memory_space<vmem>> -> memref<1x40x128xf32, #tpu.memory_space<vmem>>
      %dma_start3A_216 = tpu.memref_squeeze %dma_start3A_215 : memref<1x40x128xf32, #tpu.memory_space<vmem>> -> memref<40x128xf32, #tpu.memory_space<vmem>>
      %dma_start3A_217 = arith.constant 0 : i32
      %dma_start3A_218 = tpu.memref_slice %arg6[%add3A_38, %dma_start3A_217] : memref<10240x128xf32, #tpu.memory_space<vmem_shared>> -> memref<40x128xf32, #tpu.memory_space<vmem_shared>>
      %dma_start3A_219 = arith.constant 0 : i32
      %dma_start3A_220 = tpu.memref_slice %arg6[%add3A_38, %dma_start3A_219] : memref<10240x128xf32, #tpu.memory_space<vmem_shared>> -> memref<40x128xf32, #tpu.memory_space<vmem_shared>>
      %dma_start3A_221 = arith.constant 0 : i32
      %dma_start3A_222 = arith.constant 0 : i32
      %dma_start3A_223 = tpu.memref_slice %arg9[%run_scoped3A_39, %dma_start3A_221, %dma_start3A_222] : memref<3x40x128xf32, #tpu.memory_space<vmem>> -> memref<1x40x128xf32, #tpu.memory_space<vmem>>
      %dma_start3A_224 = tpu.memref_squeeze %dma_start3A_223 : memref<1x40x128xf32, #tpu.memory_space<vmem>> -> memref<40x128xf32, #tpu.memory_space<vmem>>
      tpu.enqueue_dma source(%dma_start3A_224 : memref<40x128xf32, #tpu.memory_space<vmem>>) target(%dma_start3A_220 : memref<40x128xf32, #tpu.memory_space<vmem_shared>>) target_semaphore(%run_scoped3A_212 : memref<!tpu.dma_semaphore, #tpu.memory_space<semaphore_mem>>)
      %dma_wait3A_225 = arith.constant 0 : i32
      %dma_wait3A_226 = arith.constant 0 : i32
      %dma_wait3A_227 = tpu.memref_slice %arg9[%run_scoped3A_39, %dma_wait3A_225, %dma_wait3A_226] : memref<3x40x128xf32, #tpu.memory_space<vmem>> -> memref<1x40x128xf32, #tpu.memory_space<vmem>>
      %dma_wait3A_228 = tpu.memref_squeeze %dma_wait3A_227 : memref<1x40x128xf32, #tpu.memory_space<vmem>> -> memref<40x128xf32, #tpu.memory_space<vmem>>
      %dma_wait3A_229 = arith.constant 0 : i32
      %dma_wait3A_230 = tpu.memref_slice %arg6[%add3A_38, %dma_wait3A_229] : memref<10240x128xf32, #tpu.memory_space<vmem_shared>> -> memref<40x128xf32, #tpu.memory_space<vmem_shared>>
      %dma_wait3A_231 = arith.constant 0 : i32
      %dma_wait3A_232 = tpu.memref_slice %arg6[%add3A_38, %dma_wait3A_231] : memref<10240x128xf32, #tpu.memory_space<vmem_shared>> -> memref<40x128xf32, #tpu.memory_space<vmem_shared>>
      %dma_wait3A_233 = arith.constant 0 : i32
      %dma_wait3A_234 = arith.constant 0 : i32
      %dma_wait3A_235 = tpu.memref_slice %arg9[%run_scoped3A_39, %dma_wait3A_233, %dma_wait3A_234] : memref<3x40x128xf32, #tpu.memory_space<vmem>> -> memref<1x40x128xf32, #tpu.memory_space<vmem>>
      %dma_wait3A_236 = tpu.memref_squeeze %dma_wait3A_235 : memref<1x40x128xf32, #tpu.memory_space<vmem>> -> memref<40x128xf32, #tpu.memory_space<vmem>>
      tpu.wait_dma2 semaphore(%run_scoped3A_212 : memref<!tpu.dma_semaphore, #tpu.memory_space<semaphore_mem>>) src(%dma_wait3A_236 : memref<40x128xf32, #tpu.memory_space<vmem>>) dst(%dma_wait3A_232 : memref<40x128xf32, #tpu.memory_space<vmem_shared>>)
      tpu.yield
    }) : () -> ()
    %add3A_40 = arith.constant 400 : i32
    %add3A_41 = arith.addi %mul3A_4, %add3A_40 : i32
    %run_scoped3A_42 = arith.constant 0 : i32
    "tpu.region"() ({
      %run_scoped3A_212 = tpu.sem_alloc : memref<!tpu.dma_semaphore, #tpu.memory_space<semaphore_mem>>
      %dma_start3A_213 = arith.constant 0 : i32
      %dma_start3A_214 = arith.constant 0 : i32
      %dma_start3A_215 = tpu.memref_slice %arg9[%run_scoped3A_42, %dma_start3A_213, %dma_start3A_214] : memref<3x40x128xf32, #tpu.memory_space<vmem>> -> memref<1x40x128xf32, #tpu.memory_space<vmem>>
      %dma_start3A_216 = tpu.memref_squeeze %dma_start3A_215 : memref<1x40x128xf32, #tpu.memory_space<vmem>> -> memref<40x128xf32, #tpu.memory_space<vmem>>
      %dma_start3A_217 = arith.constant 0 : i32
      %dma_start3A_218 = tpu.memref_slice %arg6[%add3A_41, %dma_start3A_217] : memref<10240x128xf32, #tpu.memory_space<vmem_shared>> -> memref<40x128xf32, #tpu.memory_space<vmem_shared>>
      %dma_start3A_219 = arith.constant 0 : i32
      %dma_start3A_220 = tpu.memref_slice %arg6[%add3A_41, %dma_start3A_219] : memref<10240x128xf32, #tpu.memory_space<vmem_shared>> -> memref<40x128xf32, #tpu.memory_space<vmem_shared>>
      %dma_start3A_221 = arith.constant 0 : i32
      %dma_start3A_222 = arith.constant 0 : i32
      %dma_start3A_223 = tpu.memref_slice %arg9[%run_scoped3A_42, %dma_start3A_221, %dma_start3A_222] : memref<3x40x128xf32, #tpu.memory_space<vmem>> -> memref<1x40x128xf32, #tpu.memory_space<vmem>>
      %dma_start3A_224 = tpu.memref_squeeze %dma_start3A_223 : memref<1x40x128xf32, #tpu.memory_space<vmem>> -> memref<40x128xf32, #tpu.memory_space<vmem>>
      tpu.enqueue_dma source(%dma_start3A_224 : memref<40x128xf32, #tpu.memory_space<vmem>>) target(%dma_start3A_220 : memref<40x128xf32, #tpu.memory_space<vmem_shared>>) target_semaphore(%run_scoped3A_212 : memref<!tpu.dma_semaphore, #tpu.memory_space<semaphore_mem>>)
      %dma_wait3A_225 = arith.constant 0 : i32
      %dma_wait3A_226 = arith.constant 0 : i32
      %dma_wait3A_227 = tpu.memref_slice %arg9[%run_scoped3A_42, %dma_wait3A_225, %dma_wait3A_226] : memref<3x40x128xf32, #tpu.memory_space<vmem>> -> memref<1x40x128xf32, #tpu.memory_space<vmem>>
      %dma_wait3A_228 = tpu.memref_squeeze %dma_wait3A_227 : memref<1x40x128xf32, #tpu.memory_space<vmem>> -> memref<40x128xf32, #tpu.memory_space<vmem>>
      %dma_wait3A_229 = arith.constant 0 : i32
      %dma_wait3A_230 = tpu.memref_slice %arg6[%add3A_41, %dma_wait3A_229] : memref<10240x128xf32, #tpu.memory_space<vmem_shared>> -> memref<40x128xf32, #tpu.memory_space<vmem_shared>>
      %dma_wait3A_231 = arith.constant 0 : i32
      %dma_wait3A_232 = tpu.memref_slice %arg6[%add3A_41, %dma_wait3A_231] : memref<10240x128xf32, #tpu.memory_space<vmem_shared>> -> memref<40x128xf32, #tpu.memory_space<vmem_shared>>
      %dma_wait3A_233 = arith.constant 0 : i32
      %dma_wait3A_234 = arith.constant 0 : i32
      %dma_wait3A_235 = tpu.memref_slice %arg9[%run_scoped3A_42, %dma_wait3A_233, %dma_wait3A_234] : memref<3x40x128xf32, #tpu.memory_space<vmem>> -> memref<1x40x128xf32, #tpu.memory_space<vmem>>
      %dma_wait3A_236 = tpu.memref_squeeze %dma_wait3A_235 : memref<1x40x128xf32, #tpu.memory_space<vmem>> -> memref<40x128xf32, #tpu.memory_space<vmem>>
      tpu.wait_dma2 semaphore(%run_scoped3A_212 : memref<!tpu.dma_semaphore, #tpu.memory_space<semaphore_mem>>) src(%dma_wait3A_236 : memref<40x128xf32, #tpu.memory_space<vmem>>) dst(%dma_wait3A_232 : memref<40x128xf32, #tpu.memory_space<vmem_shared>>)
      tpu.yield
    }) : () -> ()
    %add3A_43 = arith.constant 440 : i32
    %add3A_44 = arith.addi %mul3A_4, %add3A_43 : i32
    %run_scoped3A_45 = arith.constant 0 : i32
    "tpu.region"() ({
      %run_scoped3A_212 = tpu.sem_alloc : memref<!tpu.dma_semaphore, #tpu.memory_space<semaphore_mem>>
      %dma_start3A_213 = arith.constant 0 : i32
      %dma_start3A_214 = arith.constant 0 : i32
      %dma_start3A_215 = tpu.memref_slice %arg9[%run_scoped3A_45, %dma_start3A_213, %dma_start3A_214] : memref<3x40x128xf32, #tpu.memory_space<vmem>> -> memref<1x40x128xf32, #tpu.memory_space<vmem>>
      %dma_start3A_216 = tpu.memref_squeeze %dma_start3A_215 : memref<1x40x128xf32, #tpu.memory_space<vmem>> -> memref<40x128xf32, #tpu.memory_space<vmem>>
      %dma_start3A_217 = arith.constant 0 : i32
      %dma_start3A_218 = tpu.memref_slice %arg6[%add3A_44, %dma_start3A_217] : memref<10240x128xf32, #tpu.memory_space<vmem_shared>> -> memref<40x128xf32, #tpu.memory_space<vmem_shared>>
      %dma_start3A_219 = arith.constant 0 : i32
      %dma_start3A_220 = tpu.memref_slice %arg6[%add3A_44, %dma_start3A_219] : memref<10240x128xf32, #tpu.memory_space<vmem_shared>> -> memref<40x128xf32, #tpu.memory_space<vmem_shared>>
      %dma_start3A_221 = arith.constant 0 : i32
      %dma_start3A_222 = arith.constant 0 : i32
      %dma_start3A_223 = tpu.memref_slice %arg9[%run_scoped3A_45, %dma_start3A_221, %dma_start3A_222] : memref<3x40x128xf32, #tpu.memory_space<vmem>> -> memref<1x40x128xf32, #tpu.memory_space<vmem>>
      %dma_start3A_224 = tpu.memref_squeeze %dma_start3A_223 : memref<1x40x128xf32, #tpu.memory_space<vmem>> -> memref<40x128xf32, #tpu.memory_space<vmem>>
      tpu.enqueue_dma source(%dma_start3A_224 : memref<40x128xf32, #tpu.memory_space<vmem>>) target(%dma_start3A_220 : memref<40x128xf32, #tpu.memory_space<vmem_shared>>) target_semaphore(%run_scoped3A_212 : memref<!tpu.dma_semaphore, #tpu.memory_space<semaphore_mem>>)
      %dma_wait3A_225 = arith.constant 0 : i32
      %dma_wait3A_226 = arith.constant 0 : i32
      %dma_wait3A_227 = tpu.memref_slice %arg9[%run_scoped3A_45, %dma_wait3A_225, %dma_wait3A_226] : memref<3x40x128xf32, #tpu.memory_space<vmem>> -> memref<1x40x128xf32, #tpu.memory_space<vmem>>
      %dma_wait3A_228 = tpu.memref_squeeze %dma_wait3A_227 : memref<1x40x128xf32, #tpu.memory_space<vmem>> -> memref<40x128xf32, #tpu.memory_space<vmem>>
      %dma_wait3A_229 = arith.constant 0 : i32
      %dma_wait3A_230 = tpu.memref_slice %arg6[%add3A_44, %dma_wait3A_229] : memref<10240x128xf32, #tpu.memory_space<vmem_shared>> -> memref<40x128xf32, #tpu.memory_space<vmem_shared>>
      %dma_wait3A_231 = arith.constant 0 : i32
      %dma_wait3A_232 = tpu.memref_slice %arg6[%add3A_44, %dma_wait3A_231] : memref<10240x128xf32, #tpu.memory_space<vmem_shared>> -> memref<40x128xf32, #tpu.memory_space<vmem_shared>>
      %dma_wait3A_233 = arith.constant 0 : i32
      %dma_wait3A_234 = arith.constant 0 : i32
      %dma_wait3A_235 = tpu.memref_slice %arg9[%run_scoped3A_45, %dma_wait3A_233, %dma_wait3A_234] : memref<3x40x128xf32, #tpu.memory_space<vmem>> -> memref<1x40x128xf32, #tpu.memory_space<vmem>>
      %dma_wait3A_236 = tpu.memref_squeeze %dma_wait3A_235 : memref<1x40x128xf32, #tpu.memory_space<vmem>> -> memref<40x128xf32, #tpu.memory_space<vmem>>
      tpu.wait_dma2 semaphore(%run_scoped3A_212 : memref<!tpu.dma_semaphore, #tpu.memory_space<semaphore_mem>>) src(%dma_wait3A_236 : memref<40x128xf32, #tpu.memory_space<vmem>>) dst(%dma_wait3A_232 : memref<40x128xf32, #tpu.memory_space<vmem_shared>>)
      tpu.yield
    }) : () -> ()
    %add3A_46 = arith.constant 480 : i32
    %add3A_47 = arith.addi %mul3A_4, %add3A_46 : i32
    %run_scoped3A_48 = arith.constant 0 : i32
    "tpu.region"() ({
      %run_scoped3A_212 = tpu.sem_alloc : memref<!tpu.dma_semaphore, #tpu.memory_space<semaphore_mem>>
      %dma_start3A_213 = arith.constant 0 : i32
      %dma_start3A_214 = arith.constant 0 : i32
      %dma_start3A_215 = tpu.memref_slice %arg9[%run_scoped3A_48, %dma_start3A_213, %dma_start3A_214] : memref<3x40x128xf32, #tpu.memory_space<vmem>> -> memref<1x40x128xf32, #tpu.memory_space<vmem>>
      %dma_start3A_216 = tpu.memref_squeeze %dma_start3A_215 : memref<1x40x128xf32, #tpu.memory_space<vmem>> -> memref<40x128xf32, #tpu.memory_space<vmem>>
      %dma_start3A_217 = arith.constant 0 : i32
      %dma_start3A_218 = tpu.memref_slice %arg6[%add3A_47, %dma_start3A_217] : memref<10240x128xf32, #tpu.memory_space<vmem_shared>> -> memref<40x128xf32, #tpu.memory_space<vmem_shared>>
      %dma_start3A_219 = arith.constant 0 : i32
      %dma_start3A_220 = tpu.memref_slice %arg6[%add3A_47, %dma_start3A_219] : memref<10240x128xf32, #tpu.memory_space<vmem_shared>> -> memref<40x128xf32, #tpu.memory_space<vmem_shared>>
      %dma_start3A_221 = arith.constant 0 : i32
      %dma_start3A_222 = arith.constant 0 : i32
      %dma_start3A_223 = tpu.memref_slice %arg9[%run_scoped3A_48, %dma_start3A_221, %dma_start3A_222] : memref<3x40x128xf32, #tpu.memory_space<vmem>> -> memref<1x40x128xf32, #tpu.memory_space<vmem>>
      %dma_start3A_224 = tpu.memref_squeeze %dma_start3A_223 : memref<1x40x128xf32, #tpu.memory_space<vmem>> -> memref<40x128xf32, #tpu.memory_space<vmem>>
      tpu.enqueue_dma source(%dma_start3A_224 : memref<40x128xf32, #tpu.memory_space<vmem>>) target(%dma_start3A_220 : memref<40x128xf32, #tpu.memory_space<vmem_shared>>) target_semaphore(%run_scoped3A_212 : memref<!tpu.dma_semaphore, #tpu.memory_space<semaphore_mem>>)
      %dma_wait3A_225 = arith.constant 0 : i32
      %dma_wait3A_226 = arith.constant 0 : i32
      %dma_wait3A_227 = tpu.memref_slice %arg9[%run_scoped3A_48, %dma_wait3A_225, %dma_wait3A_226] : memref<3x40x128xf32, #tpu.memory_space<vmem>> -> memref<1x40x128xf32, #tpu.memory_space<vmem>>
      %dma_wait3A_228 = tpu.memref_squeeze %dma_wait3A_227 : memref<1x40x128xf32, #tpu.memory_space<vmem>> -> memref<40x128xf32, #tpu.memory_space<vmem>>
      %dma_wait3A_229 = arith.constant 0 : i32
      %dma_wait3A_230 = tpu.memref_slice %arg6[%add3A_47, %dma_wait3A_229] : memref<10240x128xf32, #tpu.memory_space<vmem_shared>> -> memref<40x128xf32, #tpu.memory_space<vmem_shared>>
      %dma_wait3A_231 = arith.constant 0 : i32
      %dma_wait3A_232 = tpu.memref_slice %arg6[%add3A_47, %dma_wait3A_231] : memref<10240x128xf32, #tpu.memory_space<vmem_shared>> -> memref<40x128xf32, #tpu.memory_space<vmem_shared>>
      %dma_wait3A_233 = arith.constant 0 : i32
      %dma_wait3A_234 = arith.constant 0 : i32
      %dma_wait3A_235 = tpu.memref_slice %arg9[%run_scoped3A_48, %dma_wait3A_233, %dma_wait3A_234] : memref<3x40x128xf32, #tpu.memory_space<vmem>> -> memref<1x40x128xf32, #tpu.memory_space<vmem>>
      %dma_wait3A_236 = tpu.memref_squeeze %dma_wait3A_235 : memref<1x40x128xf32, #tpu.memory_space<vmem>> -> memref<40x128xf32, #tpu.memory_space<vmem>>
      tpu.wait_dma2 semaphore(%run_scoped3A_212 : memref<!tpu.dma_semaphore, #tpu.memory_space<semaphore_mem>>) src(%dma_wait3A_236 : memref<40x128xf32, #tpu.memory_space<vmem>>) dst(%dma_wait3A_232 : memref<40x128xf32, #tpu.memory_space<vmem_shared>>)
      tpu.yield
    }) : () -> ()
    %add3A_49 = arith.constant 520 : i32
    %add3A_50 = arith.addi %mul3A_4, %add3A_49 : i32
    %run_scoped3A_51 = arith.constant 0 : i32
    "tpu.region"() ({
      %run_scoped3A_212 = tpu.sem_alloc : memref<!tpu.dma_semaphore, #tpu.memory_space<semaphore_mem>>
      %dma_start3A_213 = arith.constant 0 : i32
      %dma_start3A_214 = arith.constant 0 : i32
      %dma_start3A_215 = tpu.memref_slice %arg9[%run_scoped3A_51, %dma_start3A_213, %dma_start3A_214] : memref<3x40x128xf32, #tpu.memory_space<vmem>> -> memref<1x40x128xf32, #tpu.memory_space<vmem>>
      %dma_start3A_216 = tpu.memref_squeeze %dma_start3A_215 : memref<1x40x128xf32, #tpu.memory_space<vmem>> -> memref<40x128xf32, #tpu.memory_space<vmem>>
      %dma_start3A_217 = arith.constant 0 : i32
      %dma_start3A_218 = tpu.memref_slice %arg6[%add3A_50, %dma_start3A_217] : memref<10240x128xf32, #tpu.memory_space<vmem_shared>> -> memref<40x128xf32, #tpu.memory_space<vmem_shared>>
      %dma_start3A_219 = arith.constant 0 : i32
      %dma_start3A_220 = tpu.memref_slice %arg6[%add3A_50, %dma_start3A_219] : memref<10240x128xf32, #tpu.memory_space<vmem_shared>> -> memref<40x128xf32, #tpu.memory_space<vmem_shared>>
      %dma_start3A_221 = arith.constant 0 : i32
      %dma_start3A_222 = arith.constant 0 : i32
      %dma_start3A_223 = tpu.memref_slice %arg9[%run_scoped3A_51, %dma_start3A_221, %dma_start3A_222] : memref<3x40x128xf32, #tpu.memory_space<vmem>> -> memref<1x40x128xf32, #tpu.memory_space<vmem>>
      %dma_start3A_224 = tpu.memref_squeeze %dma_start3A_223 : memref<1x40x128xf32, #tpu.memory_space<vmem>> -> memref<40x128xf32, #tpu.memory_space<vmem>>
      tpu.enqueue_dma source(%dma_start3A_224 : memref<40x128xf32, #tpu.memory_space<vmem>>) target(%dma_start3A_220 : memref<40x128xf32, #tpu.memory_space<vmem_shared>>) target_semaphore(%run_scoped3A_212 : memref<!tpu.dma_semaphore, #tpu.memory_space<semaphore_mem>>)
      %dma_wait3A_225 = arith.constant 0 : i32
      %dma_wait3A_226 = arith.constant 0 : i32
      %dma_wait3A_227 = tpu.memref_slice %arg9[%run_scoped3A_51, %dma_wait3A_225, %dma_wait3A_226] : memref<3x40x128xf32, #tpu.memory_space<vmem>> -> memref<1x40x128xf32, #tpu.memory_space<vmem>>
      %dma_wait3A_228 = tpu.memref_squeeze %dma_wait3A_227 : memref<1x40x128xf32, #tpu.memory_space<vmem>> -> memref<40x128xf32, #tpu.memory_space<vmem>>
      %dma_wait3A_229 = arith.constant 0 : i32
      %dma_wait3A_230 = tpu.memref_slice %arg6[%add3A_50, %dma_wait3A_229] : memref<10240x128xf32, #tpu.memory_space<vmem_shared>> -> memref<40x128xf32, #tpu.memory_space<vmem_shared>>
      %dma_wait3A_231 = arith.constant 0 : i32
      %dma_wait3A_232 = tpu.memref_slice %arg6[%add3A_50, %dma_wait3A_231] : memref<10240x128xf32, #tpu.memory_space<vmem_shared>> -> memref<40x128xf32, #tpu.memory_space<vmem_shared>>
      %dma_wait3A_233 = arith.constant 0 : i32
      %dma_wait3A_234 = arith.constant 0 : i32
      %dma_wait3A_235 = tpu.memref_slice %arg9[%run_scoped3A_51, %dma_wait3A_233, %dma_wait3A_234] : memref<3x40x128xf32, #tpu.memory_space<vmem>> -> memref<1x40x128xf32, #tpu.memory_space<vmem>>
      %dma_wait3A_236 = tpu.memref_squeeze %dma_wait3A_235 : memref<1x40x128xf32, #tpu.memory_space<vmem>> -> memref<40x128xf32, #tpu.memory_space<vmem>>
      tpu.wait_dma2 semaphore(%run_scoped3A_212 : memref<!tpu.dma_semaphore, #tpu.memory_space<semaphore_mem>>) src(%dma_wait3A_236 : memref<40x128xf32, #tpu.memory_space<vmem>>) dst(%dma_wait3A_232 : memref<40x128xf32, #tpu.memory_space<vmem_shared>>)
      tpu.yield
    }) : () -> ()
    %add3A_52 = arith.constant 560 : i32
    %add3A_53 = arith.addi %mul3A_4, %add3A_52 : i32
    %run_scoped3A_54 = arith.constant 0 : i32
    "tpu.region"() ({
      %run_scoped3A_212 = tpu.sem_alloc : memref<!tpu.dma_semaphore, #tpu.memory_space<semaphore_mem>>
      %dma_start3A_213 = arith.constant 0 : i32
      %dma_start3A_214 = arith.constant 0 : i32
      %dma_start3A_215 = tpu.memref_slice %arg9[%run_scoped3A_54, %dma_start3A_213, %dma_start3A_214] : memref<3x40x128xf32, #tpu.memory_space<vmem>> -> memref<1x40x128xf32, #tpu.memory_space<vmem>>
      %dma_start3A_216 = tpu.memref_squeeze %dma_start3A_215 : memref<1x40x128xf32, #tpu.memory_space<vmem>> -> memref<40x128xf32, #tpu.memory_space<vmem>>
      %dma_start3A_217 = arith.constant 0 : i32
      %dma_start3A_218 = tpu.memref_slice %arg6[%add3A_53, %dma_start3A_217] : memref<10240x128xf32, #tpu.memory_space<vmem_shared>> -> memref<40x128xf32, #tpu.memory_space<vmem_shared>>
      %dma_start3A_219 = arith.constant 0 : i32
      %dma_start3A_220 = tpu.memref_slice %arg6[%add3A_53, %dma_start3A_219] : memref<10240x128xf32, #tpu.memory_space<vmem_shared>> -> memref<40x128xf32, #tpu.memory_space<vmem_shared>>
      %dma_start3A_221 = arith.constant 0 : i32
      %dma_start3A_222 = arith.constant 0 : i32
      %dma_start3A_223 = tpu.memref_slice %arg9[%run_scoped3A_54, %dma_start3A_221, %dma_start3A_222] : memref<3x40x128xf32, #tpu.memory_space<vmem>> -> memref<1x40x128xf32, #tpu.memory_space<vmem>>
      %dma_start3A_224 = tpu.memref_squeeze %dma_start3A_223 : memref<1x40x128xf32, #tpu.memory_space<vmem>> -> memref<40x128xf32, #tpu.memory_space<vmem>>
      tpu.enqueue_dma source(%dma_start3A_224 : memref<40x128xf32, #tpu.memory_space<vmem>>) target(%dma_start3A_220 : memref<40x128xf32, #tpu.memory_space<vmem_shared>>) target_semaphore(%run_scoped3A_212 : memref<!tpu.dma_semaphore, #tpu.memory_space<semaphore_mem>>)
      %dma_wait3A_225 = arith.constant 0 : i32
      %dma_wait3A_226 = arith.constant 0 : i32
      %dma_wait3A_227 = tpu.memref_slice %arg9[%run_scoped3A_54, %dma_wait3A_225, %dma_wait3A_226] : memref<3x40x128xf32, #tpu.memory_space<vmem>> -> memref<1x40x128xf32, #tpu.memory_space<vmem>>
      %dma_wait3A_228 = tpu.memref_squeeze %dma_wait3A_227 : memref<1x40x128xf32, #tpu.memory_space<vmem>> -> memref<40x128xf32, #tpu.memory_space<vmem>>
      %dma_wait3A_229 = arith.constant 0 : i32
      %dma_wait3A_230 = tpu.memref_slice %arg6[%add3A_53, %dma_wait3A_229] : memref<10240x128xf32, #tpu.memory_space<vmem_shared>> -> memref<40x128xf32, #tpu.memory_space<vmem_shared>>
      %dma_wait3A_231 = arith.constant 0 : i32
      %dma_wait3A_232 = tpu.memref_slice %arg6[%add3A_53, %dma_wait3A_231] : memref<10240x128xf32, #tpu.memory_space<vmem_shared>> -> memref<40x128xf32, #tpu.memory_space<vmem_shared>>
      %dma_wait3A_233 = arith.constant 0 : i32
      %dma_wait3A_234 = arith.constant 0 : i32
      %dma_wait3A_235 = tpu.memref_slice %arg9[%run_scoped3A_54, %dma_wait3A_233, %dma_wait3A_234] : memref<3x40x128xf32, #tpu.memory_space<vmem>> -> memref<1x40x128xf32, #tpu.memory_space<vmem>>
      %dma_wait3A_236 = tpu.memref_squeeze %dma_wait3A_235 : memref<1x40x128xf32, #tpu.memory_space<vmem>> -> memref<40x128xf32, #tpu.memory_space<vmem>>
      tpu.wait_dma2 semaphore(%run_scoped3A_212 : memref<!tpu.dma_semaphore, #tpu.memory_space<semaphore_mem>>) src(%dma_wait3A_236 : memref<40x128xf32, #tpu.memory_space<vmem>>) dst(%dma_wait3A_232 : memref<40x128xf32, #tpu.memory_space<vmem_shared>>)
      tpu.yield
    }) : () -> ()
    %add3A_55 = arith.constant 600 : i32
    %add3A_56 = arith.addi %mul3A_4, %add3A_55 : i32
    %run_scoped3A_57 = arith.constant 0 : i32
    "tpu.region"() ({
      %run_scoped3A_212 = tpu.sem_alloc : memref<!tpu.dma_semaphore, #tpu.memory_space<semaphore_mem>>
      %dma_start3A_213 = arith.constant 0 : i32
      %dma_start3A_214 = arith.constant 0 : i32
      %dma_start3A_215 = tpu.memref_slice %arg9[%run_scoped3A_57, %dma_start3A_213, %dma_start3A_214] : memref<3x40x128xf32, #tpu.memory_space<vmem>> -> memref<1x40x128xf32, #tpu.memory_space<vmem>>
      %dma_start3A_216 = tpu.memref_squeeze %dma_start3A_215 : memref<1x40x128xf32, #tpu.memory_space<vmem>> -> memref<40x128xf32, #tpu.memory_space<vmem>>
      %dma_start3A_217 = arith.constant 0 : i32
      %dma_start3A_218 = tpu.memref_slice %arg6[%add3A_56, %dma_start3A_217] : memref<10240x128xf32, #tpu.memory_space<vmem_shared>> -> memref<40x128xf32, #tpu.memory_space<vmem_shared>>
      %dma_start3A_219 = arith.constant 0 : i32
      %dma_start3A_220 = tpu.memref_slice %arg6[%add3A_56, %dma_start3A_219] : memref<10240x128xf32, #tpu.memory_space<vmem_shared>> -> memref<40x128xf32, #tpu.memory_space<vmem_shared>>
      %dma_start3A_221 = arith.constant 0 : i32
      %dma_start3A_222 = arith.constant 0 : i32
      %dma_start3A_223 = tpu.memref_slice %arg9[%run_scoped3A_57, %dma_start3A_221, %dma_start3A_222] : memref<3x40x128xf32, #tpu.memory_space<vmem>> -> memref<1x40x128xf32, #tpu.memory_space<vmem>>
      %dma_start3A_224 = tpu.memref_squeeze %dma_start3A_223 : memref<1x40x128xf32, #tpu.memory_space<vmem>> -> memref<40x128xf32, #tpu.memory_space<vmem>>
      tpu.enqueue_dma source(%dma_start3A_224 : memref<40x128xf32, #tpu.memory_space<vmem>>) target(%dma_start3A_220 : memref<40x128xf32, #tpu.memory_space<vmem_shared>>) target_semaphore(%run_scoped3A_212 : memref<!tpu.dma_semaphore, #tpu.memory_space<semaphore_mem>>)
      %dma_wait3A_225 = arith.constant 0 : i32
      %dma_wait3A_226 = arith.constant 0 : i32
      %dma_wait3A_227 = tpu.memref_slice %arg9[%run_scoped3A_57, %dma_wait3A_225, %dma_wait3A_226] : memref<3x40x128xf32, #tpu.memory_space<vmem>> -> memref<1x40x128xf32, #tpu.memory_space<vmem>>
      %dma_wait3A_228 = tpu.memref_squeeze %dma_wait3A_227 : memref<1x40x128xf32, #tpu.memory_space<vmem>> -> memref<40x128xf32, #tpu.memory_space<vmem>>
      %dma_wait3A_229 = arith.constant 0 : i32
      %dma_wait3A_230 = tpu.memref_slice %arg6[%add3A_56, %dma_wait3A_229] : memref<10240x128xf32, #tpu.memory_space<vmem_shared>> -> memref<40x128xf32, #tpu.memory_space<vmem_shared>>
      %dma_wait3A_231 = arith.constant 0 : i32
      %dma_wait3A_232 = tpu.memref_slice %arg6[%add3A_56, %dma_wait3A_231] : memref<10240x128xf32, #tpu.memory_space<vmem_shared>> -> memref<40x128xf32, #tpu.memory_space<vmem_shared>>
      %dma_wait3A_233 = arith.constant 0 : i32
      %dma_wait3A_234 = arith.constant 0 : i32
      %dma_wait3A_235 = tpu.memref_slice %arg9[%run_scoped3A_57, %dma_wait3A_233, %dma_wait3A_234] : memref<3x40x128xf32, #tpu.memory_space<vmem>> -> memref<1x40x128xf32, #tpu.memory_space<vmem>>
      %dma_wait3A_236 = tpu.memref_squeeze %dma_wait3A_235 : memref<1x40x128xf32, #tpu.memory_space<vmem>> -> memref<40x128xf32, #tpu.memory_space<vmem>>
      tpu.wait_dma2 semaphore(%run_scoped3A_212 : memref<!tpu.dma_semaphore, #tpu.memory_space<semaphore_mem>>) src(%dma_wait3A_236 : memref<40x128xf32, #tpu.memory_space<vmem>>) dst(%dma_wait3A_232 : memref<40x128xf32, #tpu.memory_space<vmem_shared>>)
      tpu.yield
    }) : () -> ()
    %barrier3A = arith.constant 0 : index
    tpu.barrier barrier_id(%barrier3A)
    %add3A_58 = arith.constant 0 : i32
    %add3A_59 = arith.addi %mul3A_2, %add3A_58 : i32
    %dma_start3A = arith.constant 0 : i32
    %dma_start3A_60 = arith.constant 0 : i32
    %dma_start3A_61 = tpu.memref_slice %arg7[%dma_start3A, %dma_start3A_60] : memref<4x40xi32, #tpu.memory_space<vmem>> -> memref<1x40xi32, #tpu.memory_space<vmem>>
    %dma_start3A_62 = tpu.memref_squeeze %dma_start3A_61 : memref<1x40xi32, #tpu.memory_space<vmem>> -> memref<40xi32, #tpu.memory_space<vmem>>
    %dma_start3A_63 = tpu.memref_slice %arg2[%add3A_59] : memref<320000xi32, #tpu.memory_space<hbm>> -> memref<40xi32, #tpu.memory_space<hbm>>
    %dma_start3A_64 = arith.constant 0 : i32
    %dma_start3A_65 = tpu.memref_slice %arg7[%dma_start3A, %dma_start3A_64] : memref<4x40xi32, #tpu.memory_space<vmem>> -> memref<1x40xi32, #tpu.memory_space<vmem>>
    %dma_start3A_66 = tpu.memref_squeeze %dma_start3A_65 : memref<1x40xi32, #tpu.memory_space<vmem>> -> memref<40xi32, #tpu.memory_space<vmem>>
    %dma_start3A_67 = tpu.memref_slice %arg2[%add3A_59] : memref<320000xi32, #tpu.memory_space<hbm>> -> memref<40xi32, #tpu.memory_space<hbm>>
    tpu.enqueue_dma source(%dma_start3A_67 : memref<40xi32, #tpu.memory_space<hbm>>) target(%dma_start3A_66 : memref<40xi32, #tpu.memory_space<vmem>>) target_semaphore(%arg10 : memref<!tpu.dma_semaphore, #tpu.memory_space<semaphore_mem>>)
    %add3A_68 = arith.constant 0 : i32
    %add3A_69 = arith.addi %mul3A_2, %add3A_68 : i32
    %dma_start3A_70 = arith.constant 0 : i32
    %dma_start3A_71 = arith.constant 0 : i32
    %dma_start3A_72 = tpu.memref_slice %arg8[%dma_start3A_70, %dma_start3A_71] : memref<4x40xi32, #tpu.memory_space<vmem>> -> memref<1x40xi32, #tpu.memory_space<vmem>>
    %dma_start3A_73 = tpu.memref_squeeze %dma_start3A_72 : memref<1x40xi32, #tpu.memory_space<vmem>> -> memref<40xi32, #tpu.memory_space<vmem>>
    %dma_start3A_74 = tpu.memref_slice %arg3[%add3A_69] : memref<320000xi32, #tpu.memory_space<hbm>> -> memref<40xi32, #tpu.memory_space<hbm>>
    %dma_start3A_75 = arith.constant 0 : i32
    %dma_start3A_76 = tpu.memref_slice %arg8[%dma_start3A_70, %dma_start3A_75] : memref<4x40xi32, #tpu.memory_space<vmem>> -> memref<1x40xi32, #tpu.memory_space<vmem>>
    %dma_start3A_77 = tpu.memref_squeeze %dma_start3A_76 : memref<1x40xi32, #tpu.memory_space<vmem>> -> memref<40xi32, #tpu.memory_space<vmem>>
    %dma_start3A_78 = tpu.memref_slice %arg3[%add3A_69] : memref<320000xi32, #tpu.memory_space<hbm>> -> memref<40xi32, #tpu.memory_space<hbm>>
    tpu.enqueue_dma source(%dma_start3A_78 : memref<40xi32, #tpu.memory_space<hbm>>) target(%dma_start3A_77 : memref<40xi32, #tpu.memory_space<vmem>>) target_semaphore(%arg10 : memref<!tpu.dma_semaphore, #tpu.memory_space<semaphore_mem>>)
    %add3A_79 = arith.constant 40 : i32
    %add3A_80 = arith.addi %mul3A_2, %add3A_79 : i32
    %dma_start3A_81 = arith.constant 1 : i32
    %dma_start3A_82 = arith.constant 0 : i32
    %dma_start3A_83 = tpu.memref_slice %arg7[%dma_start3A_81, %dma_start3A_82] : memref<4x40xi32, #tpu.memory_space<vmem>> -> memref<1x40xi32, #tpu.memory_space<vmem>>
    %dma_start3A_84 = tpu.memref_squeeze %dma_start3A_83 : memref<1x40xi32, #tpu.memory_space<vmem>> -> memref<40xi32, #tpu.memory_space<vmem>>
    %dma_start3A_85 = tpu.memref_slice %arg2[%add3A_80] : memref<320000xi32, #tpu.memory_space<hbm>> -> memref<40xi32, #tpu.memory_space<hbm>>
    %dma_start3A_86 = arith.constant 0 : i32
    %dma_start3A_87 = tpu.memref_slice %arg7[%dma_start3A_81, %dma_start3A_86] : memref<4x40xi32, #tpu.memory_space<vmem>> -> memref<1x40xi32, #tpu.memory_space<vmem>>
    %dma_start3A_88 = tpu.memref_squeeze %dma_start3A_87 : memref<1x40xi32, #tpu.memory_space<vmem>> -> memref<40xi32, #tpu.memory_space<vmem>>
    %dma_start3A_89 = tpu.memref_slice %arg2[%add3A_80] : memref<320000xi32, #tpu.memory_space<hbm>> -> memref<40xi32, #tpu.memory_space<hbm>>
    tpu.enqueue_dma source(%dma_start3A_89 : memref<40xi32, #tpu.memory_space<hbm>>) target(%dma_start3A_88 : memref<40xi32, #tpu.memory_space<vmem>>) target_semaphore(%arg10 : memref<!tpu.dma_semaphore, #tpu.memory_space<semaphore_mem>>)
    %add3A_90 = arith.constant 40 : i32
    %add3A_91 = arith.addi %mul3A_2, %add3A_90 : i32
    %dma_start3A_92 = arith.constant 1 : i32
    %dma_start3A_93 = arith.constant 0 : i32
    %dma_start3A_94 = tpu.memref_slice %arg8[%dma_start3A_92, %dma_start3A_93] : memref<4x40xi32, #tpu.memory_space<vmem>> -> memref<1x40xi32, #tpu.memory_space<vmem>>
    %dma_start3A_95 = tpu.memref_squeeze %dma_start3A_94 : memref<1x40xi32, #tpu.memory_space<vmem>> -> memref<40xi32, #tpu.memory_space<vmem>>
    %dma_start3A_96 = tpu.memref_slice %arg3[%add3A_91] : memref<320000xi32, #tpu.memory_space<hbm>> -> memref<40xi32, #tpu.memory_space<hbm>>
    %dma_start3A_97 = arith.constant 0 : i32
    %dma_start3A_98 = tpu.memref_slice %arg8[%dma_start3A_92, %dma_start3A_97] : memref<4x40xi32, #tpu.memory_space<vmem>> -> memref<1x40xi32, #tpu.memory_space<vmem>>
    %dma_start3A_99 = tpu.memref_squeeze %dma_start3A_98 : memref<1x40xi32, #tpu.memory_space<vmem>> -> memref<40xi32, #tpu.memory_space<vmem>>
    %dma_start3A_100 = tpu.memref_slice %arg3[%add3A_91] : memref<320000xi32, #tpu.memory_space<hbm>> -> memref<40xi32, #tpu.memory_space<hbm>>
    tpu.enqueue_dma source(%dma_start3A_100 : memref<40xi32, #tpu.memory_space<hbm>>) target(%dma_start3A_99 : memref<40xi32, #tpu.memory_space<vmem>>) target_semaphore(%arg10 : memref<!tpu.dma_semaphore, #tpu.memory_space<semaphore_mem>>)
    %add3A_101 = arith.constant 80 : i32
    %add3A_102 = arith.addi %mul3A_2, %add3A_101 : i32
    %dma_start3A_103 = arith.constant 2 : i32
    %dma_start3A_104 = arith.constant 0 : i32
    %dma_start3A_105 = tpu.memref_slice %arg7[%dma_start3A_103, %dma_start3A_104] : memref<4x40xi32, #tpu.memory_space<vmem>> -> memref<1x40xi32, #tpu.memory_space<vmem>>
    %dma_start3A_106 = tpu.memref_squeeze %dma_start3A_105 : memref<1x40xi32, #tpu.memory_space<vmem>> -> memref<40xi32, #tpu.memory_space<vmem>>
    %dma_start3A_107 = tpu.memref_slice %arg2[%add3A_102] : memref<320000xi32, #tpu.memory_space<hbm>> -> memref<40xi32, #tpu.memory_space<hbm>>
    %dma_start3A_108 = arith.constant 0 : i32
    %dma_start3A_109 = tpu.memref_slice %arg7[%dma_start3A_103, %dma_start3A_108] : memref<4x40xi32, #tpu.memory_space<vmem>> -> memref<1x40xi32, #tpu.memory_space<vmem>>
    %dma_start3A_110 = tpu.memref_squeeze %dma_start3A_109 : memref<1x40xi32, #tpu.memory_space<vmem>> -> memref<40xi32, #tpu.memory_space<vmem>>
    %dma_start3A_111 = tpu.memref_slice %arg2[%add3A_102] : memref<320000xi32, #tpu.memory_space<hbm>> -> memref<40xi32, #tpu.memory_space<hbm>>
    tpu.enqueue_dma source(%dma_start3A_111 : memref<40xi32, #tpu.memory_space<hbm>>) target(%dma_start3A_110 : memref<40xi32, #tpu.memory_space<vmem>>) target_semaphore(%arg10 : memref<!tpu.dma_semaphore, #tpu.memory_space<semaphore_mem>>)
    %add3A_112 = arith.constant 80 : i32
    %add3A_113 = arith.addi %mul3A_2, %add3A_112 : i32
    %dma_start3A_114 = arith.constant 2 : i32
    %dma_start3A_115 = arith.constant 0 : i32
    %dma_start3A_116 = tpu.memref_slice %arg8[%dma_start3A_114, %dma_start3A_115] : memref<4x40xi32, #tpu.memory_space<vmem>> -> memref<1x40xi32, #tpu.memory_space<vmem>>
    %dma_start3A_117 = tpu.memref_squeeze %dma_start3A_116 : memref<1x40xi32, #tpu.memory_space<vmem>> -> memref<40xi32, #tpu.memory_space<vmem>>
    %dma_start3A_118 = tpu.memref_slice %arg3[%add3A_113] : memref<320000xi32, #tpu.memory_space<hbm>> -> memref<40xi32, #tpu.memory_space<hbm>>
    %dma_start3A_119 = arith.constant 0 : i32
    %dma_start3A_120 = tpu.memref_slice %arg8[%dma_start3A_114, %dma_start3A_119] : memref<4x40xi32, #tpu.memory_space<vmem>> -> memref<1x40xi32, #tpu.memory_space<vmem>>
    %dma_start3A_121 = tpu.memref_squeeze %dma_start3A_120 : memref<1x40xi32, #tpu.memory_space<vmem>> -> memref<40xi32, #tpu.memory_space<vmem>>
    %dma_start3A_122 = tpu.memref_slice %arg3[%add3A_113] : memref<320000xi32, #tpu.memory_space<hbm>> -> memref<40xi32, #tpu.memory_space<hbm>>
    tpu.enqueue_dma source(%dma_start3A_122 : memref<40xi32, #tpu.memory_space<hbm>>) target(%dma_start3A_121 : memref<40xi32, #tpu.memory_space<vmem>>) target_semaphore(%arg10 : memref<!tpu.dma_semaphore, #tpu.memory_space<semaphore_mem>>)
    %dma_wait3A = arith.constant 0 : i32
    %dma_wait3A_123 = arith.constant 0 : i32
    %dma_wait3A_124 = tpu.memref_slice %arg7[%dma_wait3A, %dma_wait3A_123] : memref<4x40xi32, #tpu.memory_space<vmem>> -> memref<1x40xi32, #tpu.memory_space<vmem>>
    %dma_wait3A_125 = tpu.memref_squeeze %dma_wait3A_124 : memref<1x40xi32, #tpu.memory_space<vmem>> -> memref<40xi32, #tpu.memory_space<vmem>>
    %dma_wait3A_126 = arith.constant 0 : i32
    %dma_wait3A_127 = tpu.memref_slice %arg2[%dma_wait3A_126] : memref<320000xi32, #tpu.memory_space<hbm>> -> memref<40xi32, #tpu.memory_space<hbm>>
    %dma_wait3A_128 = arith.constant 0 : i32
    %dma_wait3A_129 = tpu.memref_slice %arg7[%dma_wait3A, %dma_wait3A_128] : memref<4x40xi32, #tpu.memory_space<vmem>> -> memref<1x40xi32, #tpu.memory_space<vmem>>
    %dma_wait3A_130 = tpu.memref_squeeze %dma_wait3A_129 : memref<1x40xi32, #tpu.memory_space<vmem>> -> memref<40xi32, #tpu.memory_space<vmem>>
    %dma_wait3A_131 = arith.constant 0 : i32
    %dma_wait3A_132 = tpu.memref_slice %arg2[%dma_wait3A_131] : memref<320000xi32, #tpu.memory_space<hbm>> -> memref<40xi32, #tpu.memory_space<hbm>>
    tpu.wait_dma2 semaphore(%arg10 : memref<!tpu.dma_semaphore, #tpu.memory_space<semaphore_mem>>) src(%dma_wait3A_132 : memref<40xi32, #tpu.memory_space<hbm>>) dst(%dma_wait3A_130 : memref<40xi32, #tpu.memory_space<vmem>>)
    %dma_wait3A_133 = arith.constant 0 : i32
    %dma_wait3A_134 = arith.constant 0 : i32
    %dma_wait3A_135 = tpu.memref_slice %arg8[%dma_wait3A_133, %dma_wait3A_134] : memref<4x40xi32, #tpu.memory_space<vmem>> -> memref<1x40xi32, #tpu.memory_space<vmem>>
    %dma_wait3A_136 = tpu.memref_squeeze %dma_wait3A_135 : memref<1x40xi32, #tpu.memory_space<vmem>> -> memref<40xi32, #tpu.memory_space<vmem>>
    %dma_wait3A_137 = arith.constant 0 : i32
    %dma_wait3A_138 = tpu.memref_slice %arg2[%dma_wait3A_137] : memref<320000xi32, #tpu.memory_space<hbm>> -> memref<40xi32, #tpu.memory_space<hbm>>
    %dma_wait3A_139 = arith.constant 0 : i32
    %dma_wait3A_140 = tpu.memref_slice %arg8[%dma_wait3A_133, %dma_wait3A_139] : memref<4x40xi32, #tpu.memory_space<vmem>> -> memref<1x40xi32, #tpu.memory_space<vmem>>
    %dma_wait3A_141 = tpu.memref_squeeze %dma_wait3A_140 : memref<1x40xi32, #tpu.memory_space<vmem>> -> memref<40xi32, #tpu.memory_space<vmem>>
    %dma_wait3A_142 = arith.constant 0 : i32
    %dma_wait3A_143 = tpu.memref_slice %arg2[%dma_wait3A_142] : memref<320000xi32, #tpu.memory_space<hbm>> -> memref<40xi32, #tpu.memory_space<hbm>>
    tpu.wait_dma2 semaphore(%arg10 : memref<!tpu.dma_semaphore, #tpu.memory_space<semaphore_mem>>) src(%dma_wait3A_143 : memref<40xi32, #tpu.memory_space<hbm>>) dst(%dma_wait3A_141 : memref<40xi32, #tpu.memory_space<vmem>>)
    %dma_start3A_144 = arith.constant 0 : i32
    %dma_start3A_145 = arith.constant 0 : i32
    %dma_start3A_146 = arith.constant 0 : i32
    %dma_start3A_147 = arith.constant 0 : i32
    %dma_start3A_148 = tpu.memref_slice %arg9[%dma_start3A_145, %dma_start3A_146, %dma_start3A_147] : memref<3x40x128xf32, #tpu.memory_space<vmem>> -> memref<1x40x128xf32, #tpu.memory_space<vmem>>
    %dma_start3A_149 = tpu.memref_squeeze %dma_start3A_148 : memref<1x40x128xf32, #tpu.memory_space<vmem>> -> memref<40x128xf32, #tpu.memory_space<vmem>>
    %dma_start3A_150 = arith.constant 0 : i32
    %dma_start3A_151 = tpu.memref_slice %arg8[%dma_start3A_144, %dma_start3A_150] : memref<4x40xi32, #tpu.memory_space<vmem>> -> memref<1x40xi32, #tpu.memory_space<vmem>>
    %dma_start3A_152 = tpu.memref_squeeze %dma_start3A_151 : memref<1x40xi32, #tpu.memory_space<vmem>> -> memref<40xi32, #tpu.memory_space<vmem>>
    %dma_start3A_153 = arith.constant 0 : i32
    %dma_start3A_154 = arith.constant 0 : i32
    %dma_start3A_155 = tpu.memref_slice %arg6[%dma_start3A_153, %dma_start3A_154] : memref<10240x128xf32, #tpu.memory_space<vmem_shared>> -> memref<10240x128xf32, #tpu.memory_space<vmem_shared>>
    tpu.enqueue_indirect_dma source(%dma_start3A_155 : memref<10240x128xf32, #tpu.memory_space<vmem_shared>>) target(%dma_start3A_149 : memref<40x128xf32, #tpu.memory_space<vmem>>) offsets(%dma_start3A_152 : memref<40xi32, #tpu.memory_space<vmem>>) semaphore(%arg11 : memref<!tpu.dma_semaphore, #tpu.memory_space<semaphore_mem>>)
    %dma_wait3A_156 = arith.constant 1 : i32
    %dma_wait3A_157 = arith.constant 0 : i32
    %dma_wait3A_158 = tpu.memref_slice %arg7[%dma_wait3A_156, %dma_wait3A_157] : memref<4x40xi32, #tpu.memory_space<vmem>> -> memref<1x40xi32, #tpu.memory_space<vmem>>
    %dma_wait3A_159 = tpu.memref_squeeze %dma_wait3A_158 : memref<1x40xi32, #tpu.memory_space<vmem>> -> memref<40xi32, #tpu.memory_space<vmem>>
    %dma_wait3A_160 = arith.constant 0 : i32
    %dma_wait3A_161 = tpu.memref_slice %arg2[%dma_wait3A_160] : memref<320000xi32, #tpu.memory_space<hbm>> -> memref<40xi32, #tpu.memory_space<hbm>>
    %dma_wait3A_162 = arith.constant 0 : i32
    %dma_wait3A_163 = tpu.memref_slice %arg7[%dma_wait3A_156, %dma_wait3A_162] : memref<4x40xi32, #tpu.memory_space<vmem>> -> memref<1x40xi32, #tpu.memory_space<vmem>>
    %dma_wait3A_164 = tpu.memref_squeeze %dma_wait3A_163 : memref<1x40xi32, #tpu.memory_space<vmem>> -> memref<40xi32, #tpu.memory_space<vmem>>
    %dma_wait3A_165 = arith.constant 0 : i32
    %dma_wait3A_166 = tpu.memref_slice %arg2[%dma_wait3A_165] : memref<320000xi32, #tpu.memory_space<hbm>> -> memref<40xi32, #tpu.memory_space<hbm>>
    tpu.wait_dma2 semaphore(%arg10 : memref<!tpu.dma_semaphore, #tpu.memory_space<semaphore_mem>>) src(%dma_wait3A_166 : memref<40xi32, #tpu.memory_space<hbm>>) dst(%dma_wait3A_164 : memref<40xi32, #tpu.memory_space<vmem>>)
    %dma_wait3A_167 = arith.constant 1 : i32
    %dma_wait3A_168 = arith.constant 0 : i32
    %dma_wait3A_169 = tpu.memref_slice %arg8[%dma_wait3A_167, %dma_wait3A_168] : memref<4x40xi32, #tpu.memory_space<vmem>> -> memref<1x40xi32, #tpu.memory_space<vmem>>
    %dma_wait3A_170 = tpu.memref_squeeze %dma_wait3A_169 : memref<1x40xi32, #tpu.memory_space<vmem>> -> memref<40xi32, #tpu.memory_space<vmem>>
    %dma_wait3A_171 = arith.constant 0 : i32
    %dma_wait3A_172 = tpu.memref_slice %arg2[%dma_wait3A_171] : memref<320000xi32, #tpu.memory_space<hbm>> -> memref<40xi32, #tpu.memory_space<hbm>>
    %dma_wait3A_173 = arith.constant 0 : i32
    %dma_wait3A_174 = tpu.memref_slice %arg8[%dma_wait3A_167, %dma_wait3A_173] : memref<4x40xi32, #tpu.memory_space<vmem>> -> memref<1x40xi32, #tpu.memory_space<vmem>>
    %dma_wait3A_175 = tpu.memref_squeeze %dma_wait3A_174 : memref<1x40xi32, #tpu.memory_space<vmem>> -> memref<40xi32, #tpu.memory_space<vmem>>
    %dma_wait3A_176 = arith.constant 0 : i32
    %dma_wait3A_177 = tpu.memref_slice %arg2[%dma_wait3A_176] : memref<320000xi32, #tpu.memory_space<hbm>> -> memref<40xi32, #tpu.memory_space<hbm>>
    tpu.wait_dma2 semaphore(%arg10 : memref<!tpu.dma_semaphore, #tpu.memory_space<semaphore_mem>>) src(%dma_wait3A_177 : memref<40xi32, #tpu.memory_space<hbm>>) dst(%dma_wait3A_175 : memref<40xi32, #tpu.memory_space<vmem>>)
    %dma_start3A_178 = arith.constant 1 : i32
    %dma_start3A_179 = arith.constant 1 : i32
    %dma_start3A_180 = arith.constant 0 : i32
    %dma_start3A_181 = arith.constant 0 : i32
    %dma_start3A_182 = tpu.memref_slice %arg9[%dma_start3A_179, %dma_start3A_180, %dma_start3A_181] : memref<3x40x128xf32, #tpu.memory_space<vmem>> -> memref<1x40x128xf32, #tpu.memory_space<vmem>>
    %dma_start3A_183 = tpu.memref_squeeze %dma_start3A_182 : memref<1x40x128xf32, #tpu.memory_space<vmem>> -> memref<40x128xf32, #tpu.memory_space<vmem>>
    %dma_start3A_184 = arith.constant 0 : i32
    %dma_start3A_185 = tpu.memref_slice %arg8[%dma_start3A_178, %dma_start3A_184] : memref<4x40xi32, #tpu.memory_space<vmem>> -> memref<1x40xi32, #tpu.memory_space<vmem>>
    %dma_start3A_186 = tpu.memref_squeeze %dma_start3A_185 : memref<1x40xi32, #tpu.memory_space<vmem>> -> memref<40xi32, #tpu.memory_space<vmem>>
    %dma_start3A_187 = arith.constant 0 : i32
    %dma_start3A_188 = arith.constant 0 : i32
    %dma_start3A_189 = tpu.memref_slice %arg6[%dma_start3A_187, %dma_start3A_188] : memref<10240x128xf32, #tpu.memory_space<vmem_shared>> -> memref<10240x128xf32, #tpu.memory_space<vmem_shared>>
    tpu.enqueue_indirect_dma source(%dma_start3A_189 : memref<10240x128xf32, #tpu.memory_space<vmem_shared>>) target(%dma_start3A_183 : memref<40x128xf32, #tpu.memory_space<vmem>>) offsets(%dma_start3A_186 : memref<40xi32, #tpu.memory_space<vmem>>) semaphore(%arg11 : memref<!tpu.dma_semaphore, #tpu.memory_space<semaphore_mem>>)
    %scan3A_190 = arith.constant 0 : i32
    %scan3A_191 = arith.constant 0 : i32
    %scan3A_192 = arith.constant 250 : i32
    %scan3A_193 = arith.addi %scan3A_191, %scan3A_192 : i32
    %scan3A_194 = arith.constant 1 : i32
    scf.for %scan3A_212 = %scan3A_191 to %scan3A_193 step %scan3A_194  : i32 {
      %rem3A = arith.constant 3 : i32
      %rem3A_213 = arith.remsi %scan3A_212, %rem3A : i32
      %rem3A_214 = arith.constant 4 : i32
      %rem3A_215 = arith.remsi %scan3A_212, %rem3A_214 : i32
      %dma_wait3A_216 = arith.constant 0 : i32
      %dma_wait3A_217 = arith.constant 0 : i32
      %dma_wait3A_218 = tpu.memref_slice %arg9[%rem3A_213, %dma_wait3A_216, %dma_wait3A_217] : memref<3x40x128xf32, #tpu.memory_space<vmem>> -> memref<1x40x128xf32, #tpu.memory_space<vmem>>
      %dma_wait3A_219 = tpu.memref_squeeze %dma_wait3A_218 : memref<1x40x128xf32, #tpu.memory_space<vmem>> -> memref<40x128xf32, #tpu.memory_space<vmem>>
      %dma_wait3A_220 = arith.constant 0 : i32
      %dma_wait3A_221 = arith.constant 0 : i32
      %dma_wait3A_222 = tpu.memref_slice %arg4[%dma_wait3A_220, %dma_wait3A_221] : memref<10000x128xf32, #tpu.memory_space<hbm>> -> memref<40x128xf32, #tpu.memory_space<hbm>>
      %dma_wait3A_223 = arith.constant 0 : i32
      %dma_wait3A_224 = arith.constant 0 : i32
      %dma_wait3A_225 = tpu.memref_slice %arg9[%rem3A_213, %dma_wait3A_223, %dma_wait3A_224] : memref<3x40x128xf32, #tpu.memory_space<vmem>> -> memref<1x40x128xf32, #tpu.memory_space<vmem>>
      %dma_wait3A_226 = tpu.memref_squeeze %dma_wait3A_225 : memref<1x40x128xf32, #tpu.memory_space<vmem>> -> memref<40x128xf32, #tpu.memory_space<vmem>>
      %dma_wait3A_227 = arith.constant 0 : i32
      %dma_wait3A_228 = arith.constant 0 : i32
      %dma_wait3A_229 = tpu.memref_slice %arg4[%dma_wait3A_227, %dma_wait3A_228] : memref<10000x128xf32, #tpu.memory_space<hbm>> -> memref<40x128xf32, #tpu.memory_space<hbm>>
      tpu.wait_dma2 semaphore(%arg11 : memref<!tpu.dma_semaphore, #tpu.memory_space<semaphore_mem>>) src(%dma_wait3A_229 : memref<40x128xf32, #tpu.memory_space<hbm>>) dst(%dma_wait3A_226 : memref<40x128xf32, #tpu.memory_space<vmem>>)
      %dma_start3A_230 = arith.constant 0 : i32
      %dma_start3A_231 = arith.constant 0 : i32
      %dma_start3A_232 = tpu.memref_slice %arg9[%rem3A_213, %dma_start3A_230, %dma_start3A_231] : memref<3x40x128xf32, #tpu.memory_space<vmem>> -> memref<1x40x128xf32, #tpu.memory_space<vmem>>
      %dma_start3A_233 = tpu.memref_squeeze %dma_start3A_232 : memref<1x40x128xf32, #tpu.memory_space<vmem>> -> memref<40x128xf32, #tpu.memory_space<vmem>>
      %dma_start3A_234 = arith.constant 0 : i32
      %dma_start3A_235 = tpu.memref_slice %arg7[%rem3A_215, %dma_start3A_234] : memref<4x40xi32, #tpu.memory_space<vmem>> -> memref<1x40xi32, #tpu.memory_space<vmem>>
      %dma_start3A_236 = tpu.memref_squeeze %dma_start3A_235 : memref<1x40xi32, #tpu.memory_space<vmem>> -> memref<40xi32, #tpu.memory_space<vmem>>
      %dma_start3A_237 = arith.constant 0 : i32
      %dma_start3A_238 = arith.constant 0 : i32
      %dma_start3A_239 = tpu.memref_slice %arg6[%dma_start3A_237, %dma_start3A_238] : memref<10240x128xf32, #tpu.memory_space<vmem_shared>> -> memref<10240x128xf32, #tpu.memory_space<vmem_shared>>
      tpu.enqueue_indirect_dma source(%dma_start3A_233 : memref<40x128xf32, #tpu.memory_space<vmem>>) target(%dma_start3A_239 : memref<10240x128xf32, #tpu.memory_space<vmem_shared>>) offsets(%dma_start3A_236 : memref<40xi32, #tpu.memory_space<vmem>>) semaphore(%arg12 : memref<!tpu.dma_semaphore, #tpu.memory_space<semaphore_mem>>) {add = true}
      %ge3A = arith.constant 1 : i32
      %ge3A_240 = arith.cmpi sge, %scan3A_212, %ge3A : i32
      %convert_element_type3A = arith.extui %ge3A_240 : i1 to i32
      %cond3A = arith.constant 0 : i32
      %cond3A_241 = arith.cmpi ne, %convert_element_type3A, %cond3A : i32
      scf.if %cond3A_241 {
        %dma_wait3A_258 = arith.constant 0 : i32
        %dma_wait3A_259 = arith.constant 0 : i32
        %dma_wait3A_260 = tpu.memref_slice %arg9[%rem3A_213, %dma_wait3A_258, %dma_wait3A_259] : memref<3x40x128xf32, #tpu.memory_space<vmem>> -> memref<1x40x128xf32, #tpu.memory_space<vmem>>
        %dma_wait3A_261 = tpu.memref_squeeze %dma_wait3A_260 : memref<1x40x128xf32, #tpu.memory_space<vmem>> -> memref<40x128xf32, #tpu.memory_space<vmem>>
        %dma_wait3A_262 = arith.constant 0 : i32
        %dma_wait3A_263 = arith.constant 0 : i32
        %dma_wait3A_264 = tpu.memref_slice %arg4[%dma_wait3A_262, %dma_wait3A_263] : memref<10000x128xf32, #tpu.memory_space<hbm>> -> memref<40x128xf32, #tpu.memory_space<hbm>>
        %dma_wait3A_265 = arith.constant 0 : i32
        %dma_wait3A_266 = arith.constant 0 : i32
        %dma_wait3A_267 = tpu.memref_slice %arg9[%rem3A_213, %dma_wait3A_265, %dma_wait3A_266] : memref<3x40x128xf32, #tpu.memory_space<vmem>> -> memref<1x40x128xf32, #tpu.memory_space<vmem>>
        %dma_wait3A_268 = tpu.memref_squeeze %dma_wait3A_267 : memref<1x40x128xf32, #tpu.memory_space<vmem>> -> memref<40x128xf32, #tpu.memory_space<vmem>>
        %dma_wait3A_269 = arith.constant 0 : i32
        %dma_wait3A_270 = arith.constant 0 : i32
        %dma_wait3A_271 = tpu.memref_slice %arg4[%dma_wait3A_269, %dma_wait3A_270] : memref<10000x128xf32, #tpu.memory_space<hbm>> -> memref<40x128xf32, #tpu.memory_space<hbm>>
        tpu.wait_dma2 semaphore(%arg12 : memref<!tpu.dma_semaphore, #tpu.memory_space<semaphore_mem>>) src(%dma_wait3A_271 : memref<40x128xf32, #tpu.memory_space<hbm>>) dst(%dma_wait3A_268 : memref<40x128xf32, #tpu.memory_space<vmem>>)
      } else {
      }
      %add3A_242 = arith.constant 4 : i32
      %add3A_243 = arith.addi %scan3A_212, %add3A_242 : i32
      %sub3A = arith.constant 1 : i32
      %sub3A_244 = arith.subi %add3A_243, %sub3A : i32
      %lt3A = arith.constant 250 : i32
      %lt3A_245 = arith.cmpi slt, %sub3A_244, %lt3A : i32
      %convert_element_type3A_246 = arith.extui %lt3A_245 : i1 to i32
      %cond3A_247 = arith.constant 0 : i32
      %cond3A_248 = arith.cmpi ne, %convert_element_type3A_246, %cond3A_247 : i32
      scf.if %cond3A_248 {
        %add3A_258 = arith.constant 4 : i32
        %add3A_259 = arith.addi %scan3A_212, %add3A_258 : i32
        %sub3A_260 = arith.constant 1 : i32
        %sub3A_261 = arith.subi %add3A_259, %sub3A_260 : i32
        %rem3A_262 = arith.constant 4 : i32
        %rem3A_263 = arith.remsi %sub3A_261, %rem3A_262 : i32
        %add3A_264 = arith.constant 4 : i32
        %add3A_265 = arith.addi %scan3A_212, %add3A_264 : i32
        %sub3A_266 = arith.constant 1 : i32
        %sub3A_267 = arith.subi %add3A_265, %sub3A_266 : i32
        %mul3A_268 = arith.constant 40 : i32
        %mul3A_269 = arith.muli %sub3A_267, %mul3A_268 : i32
        %add3A_270 = arith.addi %mul3A_2, %mul3A_269 : i32
        %dma_start3A_271 = arith.constant 0 : i32
        %dma_start3A_272 = tpu.memref_slice %arg7[%rem3A_263, %dma_start3A_271] : memref<4x40xi32, #tpu.memory_space<vmem>> -> memref<1x40xi32, #tpu.memory_space<vmem>>
        %dma_start3A_273 = tpu.memref_squeeze %dma_start3A_272 : memref<1x40xi32, #tpu.memory_space<vmem>> -> memref<40xi32, #tpu.memory_space<vmem>>
        %dma_start3A_274 = tpu.memref_slice %arg2[%add3A_270] : memref<320000xi32, #tpu.memory_space<hbm>> -> memref<40xi32, #tpu.memory_space<hbm>>
        %dma_start3A_275 = arith.constant 0 : i32
        %dma_start3A_276 = tpu.memref_slice %arg7[%rem3A_263, %dma_start3A_275] : memref<4x40xi32, #tpu.memory_space<vmem>> -> memref<1x40xi32, #tpu.memory_space<vmem>>
        %dma_start3A_277 = tpu.memref_squeeze %dma_start3A_276 : memref<1x40xi32, #tpu.memory_space<vmem>> -> memref<40xi32, #tpu.memory_space<vmem>>
        %dma_start3A_278 = tpu.memref_slice %arg2[%add3A_270] : memref<320000xi32, #tpu.memory_space<hbm>> -> memref<40xi32, #tpu.memory_space<hbm>>
        tpu.enqueue_dma source(%dma_start3A_278 : memref<40xi32, #tpu.memory_space<hbm>>) target(%dma_start3A_277 : memref<40xi32, #tpu.memory_space<vmem>>) target_semaphore(%arg10 : memref<!tpu.dma_semaphore, #tpu.memory_space<semaphore_mem>>)
        %dma_start3A_279 = arith.constant 0 : i32
        %dma_start3A_280 = tpu.memref_slice %arg8[%rem3A_263, %dma_start3A_279] : memref<4x40xi32, #tpu.memory_space<vmem>> -> memref<1x40xi32, #tpu.memory_space<vmem>>
        %dma_start3A_281 = tpu.memref_squeeze %dma_start3A_280 : memref<1x40xi32, #tpu.memory_space<vmem>> -> memref<40xi32, #tpu.memory_space<vmem>>
        %dma_start3A_282 = tpu.memref_slice %arg3[%add3A_270] : memref<320000xi32, #tpu.memory_space<hbm>> -> memref<40xi32, #tpu.memory_space<hbm>>
        %dma_start3A_283 = arith.constant 0 : i32
        %dma_start3A_284 = tpu.memref_slice %arg8[%rem3A_263, %dma_start3A_283] : memref<4x40xi32, #tpu.memory_space<vmem>> -> memref<1x40xi32, #tpu.memory_space<vmem>>
        %dma_start3A_285 = tpu.memref_squeeze %dma_start3A_284 : memref<1x40xi32, #tpu.memory_space<vmem>> -> memref<40xi32, #tpu.memory_space<vmem>>
        %dma_start3A_286 = tpu.memref_slice %arg3[%add3A_270] : memref<320000xi32, #tpu.memory_space<hbm>> -> memref<40xi32, #tpu.memory_space<hbm>>
        tpu.enqueue_dma source(%dma_start3A_286 : memref<40xi32, #tpu.memory_space<hbm>>) target(%dma_start3A_285 : memref<40xi32, #tpu.memory_space<vmem>>) target_semaphore(%arg10 : memref<!tpu.dma_semaphore, #tpu.memory_space<semaphore_mem>>)
      } else {
      }
      %add3A_249 = arith.constant 3 : i32
      %add3A_250 = arith.addi %scan3A_212, %add3A_249 : i32
      %sub3A_251 = arith.constant 1 : i32
      %sub3A_252 = arith.subi %add3A_250, %sub3A_251 : i32
      %lt3A_253 = arith.constant 250 : i32
      %lt3A_254 = arith.cmpi slt, %sub3A_252, %lt3A_253 : i32
      %convert_element_type3A_255 = arith.extui %lt3A_254 : i1 to i32
      %cond3A_256 = arith.constant 0 : i32
      %cond3A_257 = arith.cmpi ne, %convert_element_type3A_255, %cond3A_256 : i32
      scf.if %cond3A_257 {
        %add3A_258 = arith.constant 3 : i32
        %add3A_259 = arith.addi %scan3A_212, %add3A_258 : i32
        %sub3A_260 = arith.constant 1 : i32
        %sub3A_261 = arith.subi %add3A_259, %sub3A_260 : i32
        %rem3A_262 = arith.constant 4 : i32
        %rem3A_263 = arith.remsi %sub3A_261, %rem3A_262 : i32
        %add3A_264 = arith.constant 3 : i32
        %add3A_265 = arith.addi %scan3A_212, %add3A_264 : i32
        %sub3A_266 = arith.constant 1 : i32
        %sub3A_267 = arith.subi %add3A_265, %sub3A_266 : i32
        %rem3A_268 = arith.constant 3 : i32
        %rem3A_269 = arith.remsi %sub3A_267, %rem3A_268 : i32
        %dma_wait3A_270 = arith.constant 0 : i32
        %dma_wait3A_271 = tpu.memref_slice %arg7[%rem3A_263, %dma_wait3A_270] : memref<4x40xi32, #tpu.memory_space<vmem>> -> memref<1x40xi32, #tpu.memory_space<vmem>>
        %dma_wait3A_272 = tpu.memref_squeeze %dma_wait3A_271 : memref<1x40xi32, #tpu.memory_space<vmem>> -> memref<40xi32, #tpu.memory_space<vmem>>
        %dma_wait3A_273 = arith.constant 0 : i32
        %dma_wait3A_274 = tpu.memref_slice %arg2[%dma_wait3A_273] : memref<320000xi32, #tpu.memory_space<hbm>> -> memref<40xi32, #tpu.memory_space<hbm>>
        %dma_wait3A_275 = arith.constant 0 : i32
        %dma_wait3A_276 = tpu.memref_slice %arg7[%rem3A_263, %dma_wait3A_275] : memref<4x40xi32, #tpu.memory_space<vmem>> -> memref<1x40xi32, #tpu.memory_space<vmem>>
        %dma_wait3A_277 = tpu.memref_squeeze %dma_wait3A_276 : memref<1x40xi32, #tpu.memory_space<vmem>> -> memref<40xi32, #tpu.memory_space<vmem>>
        %dma_wait3A_278 = arith.constant 0 : i32
        %dma_wait3A_279 = tpu.memref_slice %arg2[%dma_wait3A_278] : memref<320000xi32, #tpu.memory_space<hbm>> -> memref<40xi32, #tpu.memory_space<hbm>>
        tpu.wait_dma2 semaphore(%arg10 : memref<!tpu.dma_semaphore, #tpu.memory_space<semaphore_mem>>) src(%dma_wait3A_279 : memref<40xi32, #tpu.memory_space<hbm>>) dst(%dma_wait3A_277 : memref<40xi32, #tpu.memory_space<vmem>>)
        %dma_wait3A_280 = arith.constant 0 : i32
        %dma_wait3A_281 = tpu.memref_slice %arg8[%rem3A_263, %dma_wait3A_280] : memref<4x40xi32, #tpu.memory_space<vmem>> -> memref<1x40xi32, #tpu.memory_space<vmem>>
        %dma_wait3A_282 = tpu.memref_squeeze %dma_wait3A_281 : memref<1x40xi32, #tpu.memory_space<vmem>> -> memref<40xi32, #tpu.memory_space<vmem>>
        %dma_wait3A_283 = arith.constant 0 : i32
        %dma_wait3A_284 = tpu.memref_slice %arg2[%dma_wait3A_283] : memref<320000xi32, #tpu.memory_space<hbm>> -> memref<40xi32, #tpu.memory_space<hbm>>
        %dma_wait3A_285 = arith.constant 0 : i32
        %dma_wait3A_286 = tpu.memref_slice %arg8[%rem3A_263, %dma_wait3A_285] : memref<4x40xi32, #tpu.memory_space<vmem>> -> memref<1x40xi32, #tpu.memory_space<vmem>>
        %dma_wait3A_287 = tpu.memref_squeeze %dma_wait3A_286 : memref<1x40xi32, #tpu.memory_space<vmem>> -> memref<40xi32, #tpu.memory_space<vmem>>
        %dma_wait3A_288 = arith.constant 0 : i32
        %dma_wait3A_289 = tpu.memref_slice %arg2[%dma_wait3A_288] : memref<320000xi32, #tpu.memory_space<hbm>> -> memref<40xi32, #tpu.memory_space<hbm>>
        tpu.wait_dma2 semaphore(%arg10 : memref<!tpu.dma_semaphore, #tpu.memory_space<semaphore_mem>>) src(%dma_wait3A_289 : memref<40xi32, #tpu.memory_space<hbm>>) dst(%dma_wait3A_287 : memref<40xi32, #tpu.memory_space<vmem>>)
        %dma_start3A_290 = arith.constant 0 : i32
        %dma_start3A_291 = arith.constant 0 : i32
        %dma_start3A_292 = tpu.memref_slice %arg9[%rem3A_269, %dma_start3A_290, %dma_start3A_291] : memref<3x40x128xf32, #tpu.memory_space<vmem>> -> memref<1x40x128xf32, #tpu.memory_space<vmem>>
        %dma_start3A_293 = tpu.memref_squeeze %dma_start3A_292 : memref<1x40x128xf32, #tpu.memory_space<vmem>> -> memref<40x128xf32, #tpu.memory_space<vmem>>
        %dma_start3A_294 = arith.constant 0 : i32
        %dma_start3A_295 = tpu.memref_slice %arg8[%rem3A_263, %dma_start3A_294] : memref<4x40xi32, #tpu.memory_space<vmem>> -> memref<1x40xi32, #tpu.memory_space<vmem>>
        %dma_start3A_296 = tpu.memref_squeeze %dma_start3A_295 : memref<1x40xi32, #tpu.memory_space<vmem>> -> memref<40xi32, #tpu.memory_space<vmem>>
        %dma_start3A_297 = arith.constant 0 : i32
        %dma_start3A_298 = arith.constant 0 : i32
        %dma_start3A_299 = tpu.memref_slice %arg6[%dma_start3A_297, %dma_start3A_298] : memref<10240x128xf32, #tpu.memory_space<vmem_shared>> -> memref<10240x128xf32, #tpu.memory_space<vmem_shared>>
        tpu.enqueue_indirect_dma source(%dma_start3A_299 : memref<10240x128xf32, #tpu.memory_space<vmem_shared>>) target(%dma_start3A_293 : memref<40x128xf32, #tpu.memory_space<vmem>>) offsets(%dma_start3A_296 : memref<40xi32, #tpu.memory_space<vmem>>) semaphore(%arg11 : memref<!tpu.dma_semaphore, #tpu.memory_space<semaphore_mem>>)
      } else {
      }
    }
    %scan3A_195 = arith.constant 250 : i32
    %dma_wait3A_196 = arith.constant 0 : i32
    %dma_wait3A_197 = arith.constant 0 : i32
    %dma_wait3A_198 = arith.constant 0 : i32
    %dma_wait3A_199 = tpu.memref_slice %arg9[%dma_wait3A_196, %dma_wait3A_197, %dma_wait3A_198] : memref<3x40x128xf32, #tpu.memory_space<vmem>> -> memref<1x40x128xf32, #tpu.memory_space<vmem>>
    %dma_wait3A_200 = tpu.memref_squeeze %dma_wait3A_199 : memref<1x40x128xf32, #tpu.memory_space<vmem>> -> memref<40x128xf32, #tpu.memory_space<vmem>>
    %dma_wait3A_201 = arith.constant 0 : i32
    %dma_wait3A_202 = arith.constant 0 : i32
    %dma_wait3A_203 = tpu.memref_slice %arg4[%dma_wait3A_201, %dma_wait3A_202] : memref<10000x128xf32, #tpu.memory_space<hbm>> -> memref<40x128xf32, #tpu.memory_space<hbm>>
    %dma_wait3A_204 = arith.constant 0 : i32
    %dma_wait3A_205 = arith.constant 0 : i32
    %dma_wait3A_206 = tpu.memref_slice %arg9[%dma_wait3A_196, %dma_wait3A_204, %dma_wait3A_205] : memref<3x40x128xf32, #tpu.memory_space<vmem>> -> memref<1x40x128xf32, #tpu.memory_space<vmem>>
    %dma_wait3A_207 = tpu.memref_squeeze %dma_wait3A_206 : memref<1x40x128xf32, #tpu.memory_space<vmem>> -> memref<40x128xf32, #tpu.memory_space<vmem>>
    %dma_wait3A_208 = arith.constant 0 : i32
    %dma_wait3A_209 = arith.constant 0 : i32
    %dma_wait3A_210 = tpu.memref_slice %arg4[%dma_wait3A_208, %dma_wait3A_209] : memref<10000x128xf32, #tpu.memory_space<hbm>> -> memref<40x128xf32, #tpu.memory_space<hbm>>
    tpu.wait_dma2 semaphore(%arg12 : memref<!tpu.dma_semaphore, #tpu.memory_space<semaphore_mem>>) src(%dma_wait3A_210 : memref<40x128xf32, #tpu.memory_space<hbm>>) dst(%dma_wait3A_207 : memref<40x128xf32, #tpu.memory_space<vmem>>)
    %barrier3A_211 = arith.constant 0 : index
    tpu.barrier barrier_id(%barrier3A_211)
    "tpu.region"() ({
      %run_scoped3A_212 = tpu.sem_alloc : memref<!tpu.dma_semaphore, #tpu.memory_space<semaphore_mem>>
      %dma_start3A_213 = arith.constant 0 : i32
      %dma_start3A_214 = tpu.memref_slice %arg5[%arg0, %mul3A_4, %dma_start3A_213] : memref<2x10240x128xf32, #tpu.memory_space<hbm>> -> memref<1x640x128xf32, #tpu.memory_space<hbm>>
      %dma_start3A_215 = tpu.memref_squeeze %dma_start3A_214 : memref<1x640x128xf32, #tpu.memory_space<hbm>> -> memref<640x128xf32, #tpu.memory_space<hbm>>
      %dma_start3A_216 = arith.constant 0 : i32
      %dma_start3A_217 = tpu.memref_slice %arg6[%mul3A_4, %dma_start3A_216] : memref<10240x128xf32, #tpu.memory_space<vmem_shared>> -> memref<640x128xf32, #tpu.memory_space<vmem_shared>>
      tpu.enqueue_dma source(%dma_start3A_217 : memref<640x128xf32, #tpu.memory_space<vmem_shared>>) target(%dma_start3A_215 : memref<640x128xf32, #tpu.memory_space<hbm>>) target_semaphore(%run_scoped3A_212 : memref<!tpu.dma_semaphore, #tpu.memory_space<semaphore_mem>>)
      %dma_wait3A_218 = arith.constant 0 : i32
      %dma_wait3A_219 = tpu.memref_slice %arg5[%arg0, %mul3A_4, %dma_wait3A_218] : memref<2x10240x128xf32, #tpu.memory_space<hbm>> -> memref<1x640x128xf32, #tpu.memory_space<hbm>>
      %dma_wait3A_220 = tpu.memref_squeeze %dma_wait3A_219 : memref<1x640x128xf32, #tpu.memory_space<hbm>> -> memref<640x128xf32, #tpu.memory_space<hbm>>
      %dma_wait3A_221 = arith.constant 0 : i32
      %dma_wait3A_222 = tpu.memref_slice %arg6[%mul3A_4, %dma_wait3A_221] : memref<10240x128xf32, #tpu.memory_space<vmem_shared>> -> memref<640x128xf32, #tpu.memory_space<vmem_shared>>
      tpu.wait_dma2 semaphore(%run_scoped3A_212 : memref<!tpu.dma_semaphore, #tpu.memory_space<semaphore_mem>>) src(%dma_wait3A_222 : memref<640x128xf32, #tpu.memory_space<vmem_shared>>) dst(%dma_wait3A_220 : memref<640x128xf32, #tpu.memory_space<hbm>>)
      tpu.yield
    }) : () -> ()
    return
  }
}

module attributes {stable_mosaic.version = 14 : i64} {
  func.func @_mlp_body(%arg0: i32, %arg1: memref<2x1000x128xf32, #tpu.memory_space<vmem>>, %arg2: memref<128x128xf32, #tpu.memory_space<vmem>>, %arg3: memref<128x128xf32, #tpu.memory_space<vmem>>, %arg4: memref<1x128xf32, #tpu.memory_space<vmem>>, %arg5: memref<1x128xf32, #tpu.memory_space<vmem>>, %arg6: memref<1000x128xf32, #tpu.memory_space<vmem>>) attributes {dimension_semantics = [#tpu.dimension_semantics<arbitrary>], iteration_bounds = array<i64: 10>, scalar_prefetch = 0 : i64, scratch_operands = 0 : i64, tpu.core_type = #tpu.core_type<tc>, window_params = [{transform_indices = @transform_0, window_bounds = array<i64: 2, 1000, 128>}, {pipeline_mode = #tpu.pipeline_mode<synchronous>, transform_indices = @transform_1, window_bounds = array<i64: 128, 128>}, {pipeline_mode = #tpu.pipeline_mode<synchronous>, transform_indices = @transform_2, window_bounds = array<i64: 128, 128>}, {pipeline_mode = #tpu.pipeline_mode<synchronous>, transform_indices = @transform_3, window_bounds = array<i64: 1, 128>}, {pipeline_mode = #tpu.pipeline_mode<synchronous>, transform_indices = @transform_4, window_bounds = array<i64: 1, 128>}, {transform_indices = @transform_5, window_bounds = array<i64: 1000, 128>}]} {
    %get3A = arith.constant 0 : index
    %get3A_0 = arith.constant 0 : index
    %get3A_1 = arith.constant 0 : index
    %get3A_2 = vector.load %arg1[%get3A, %get3A_0, %get3A_1] : memref<2x1000x128xf32, #tpu.memory_space<vmem>>, vector<1x1000x128xf32>
    %get3A_3 = vector.shape_cast %get3A_2 : vector<1x1000x128xf32> to vector<1000x128xf32>
    %get3A_4 = arith.constant 1 : index
    %get3A_5 = arith.constant 0 : index
    %get3A_6 = arith.constant 0 : index
    %get3A_7 = vector.load %arg1[%get3A_4, %get3A_5, %get3A_6] : memref<2x1000x128xf32, #tpu.memory_space<vmem>>, vector<1x1000x128xf32>
    %get3A_8 = vector.shape_cast %get3A_7 : vector<1x1000x128xf32> to vector<1000x128xf32>
    %add3A = arith.addf %get3A_3, %get3A_8 : vector<1000x128xf32>
    %get3A_9 = arith.constant 0 : index
    %get3A_10 = arith.constant 0 : index
    %get3A_11 = vector.load %arg2[%get3A_9, %get3A_10] : memref<128x128xf32, #tpu.memory_space<vmem>>, vector<128x128xf32>
    %dot_general3A = arith.constant dense<0.000000e+00> : vector<1000x128xf32>
    %dot_general3A_12 = tpu.matmul %add3A, %get3A_11, %dot_general3A {dimension_numbers = #tpu.dot_dimension_numbers<[1], [0], [0], [1], [0, 0, 1, 1], [], []>, transpose_lhs_hint = false} : vector<1000x128xf32>, vector<128x128xf32>, vector<1000x128xf32> -> vector<1000x128xf32>
    %get3A_13 = arith.constant 0 : index
    %get3A_14 = arith.constant 0 : index
    %get3A_15 = vector.load %arg4[%get3A_13, %get3A_14] : memref<1x128xf32, #tpu.memory_space<vmem>>, vector<1x128xf32>
    %mul3A = arith.constant 0.999500393 : f32
    %mul3A_16 = vector.broadcast %mul3A : f32 to vector<1000x128xf32>
    %mul3A_17 = arith.mulf %dot_general3A_12, %mul3A_16 : vector<1000x128xf32>
    %mul3A_18 = vector.broadcast %get3A_15 : vector<1x128xf32> to vector<1000x128xf32>
    %mul3A_19 = arith.mulf %mul3A_18, %mul3A_17 : vector<1000x128xf32>
    %get3A_20 = arith.constant 0 : index
    %get3A_21 = arith.constant 0 : index
    %get3A_22 = vector.load %arg5[%get3A_20, %get3A_21] : memref<1x128xf32, #tpu.memory_space<vmem>>, vector<1x128xf32>
    %add3A_23 = vector.broadcast %get3A_22 : vector<1x128xf32> to vector<1000x128xf32>
    %add3A_24 = arith.addf %mul3A_19, %add3A_23 : vector<1000x128xf32>
    %max3A = arith.constant 0.000000e+00 : f32
    %max3A_25 = vector.broadcast %max3A : f32 to vector<1000x128xf32>
    %max3A_26 = arith.maximumf %add3A_24, %max3A_25 : vector<1000x128xf32>
    %get3A_27 = arith.constant 0 : index
    %get3A_28 = arith.constant 0 : index
    %get3A_29 = vector.load %arg3[%get3A_27, %get3A_28] : memref<128x128xf32, #tpu.memory_space<vmem>>, vector<128x128xf32>
    %dot_general3A_30 = arith.constant dense<0.000000e+00> : vector<1000x128xf32>
    %dot_general3A_31 = tpu.matmul %max3A_26, %get3A_29, %dot_general3A_30 {dimension_numbers = #tpu.dot_dimension_numbers<[1], [0], [0], [1], [0, 0, 1, 1], [], []>, transpose_lhs_hint = false} : vector<1000x128xf32>, vector<128x128xf32>, vector<1000x128xf32> -> vector<1000x128xf32>
    %swap3A = arith.constant 0 : index
    %swap3A_32 = arith.constant 0 : index
    %swap3A_33 = vector.load %arg6[%swap3A, %swap3A_32] : memref<1000x128xf32, #tpu.memory_space<vmem>>, vector<1000x128xf32>
    tpu.vector_store %arg6[%swap3A, %swap3A_32], %dot_general3A_31 {strides = array<i32>} : memref<1000x128xf32, #tpu.memory_space<vmem>>, vector<1000x128xf32>,
    return
  }
  func.func @transform_0(%arg0: i32) -> (i32, i32, i32) {
    %c0_i32 = arith.constant 0 : i32
    %c0_i32_0 = arith.constant 0 : i32
    %c0_i32_1 = arith.constant 0 : i32
    return %c0_i32, %arg0, %c0_i32_0 : i32, i32, i32
  }
  func.func @transform_1(%arg0: i32) -> (i32, i32) {
    %c0_i32 = arith.constant 0 : i32
    %c0_i32_0 = arith.constant 0 : i32
    %c0_i32_1 = arith.constant 0 : i32
    return %c0_i32, %c0_i32_0 : i32, i32
  }
  func.func @transform_2(%arg0: i32) -> (i32, i32) {
    %c0_i32 = arith.constant 0 : i32
    %c0_i32_0 = arith.constant 0 : i32
    %c0_i32_1 = arith.constant 0 : i32
    return %c0_i32, %c0_i32_0 : i32, i32
  }
  func.func @transform_3(%arg0: i32) -> (i32, i32) {
    %c0_i32 = arith.constant 0 : i32
    %c0_i32_0 = arith.constant 0 : i32
    %c0_i32_1 = arith.constant 0 : i32
    return %c0_i32, %c0_i32_0 : i32, i32
  }
  func.func @transform_4(%arg0: i32) -> (i32, i32) {
    %c0_i32 = arith.constant 0 : i32
    %c0_i32_0 = arith.constant 0 : i32
    %c0_i32_1 = arith.constant 0 : i32
    return %c0_i32, %c0_i32_0 : i32, i32
  }
  func.func @transform_5(%arg0: i32) -> (i32, i32) {
    %c0_i32 = arith.constant 0 : i32
    %c0_i32_0 = arith.constant 0 : i32
    return %arg0, %c0_i32 : i32, i32
  }
}

</mosaic_0001>

<sc_bundles>
// kernel: kernel.4.cloned.1.call-start
scs
__scs_entry_jumppad:
0x0: {  	(pc) =	sbr.rel $0x88, $3  }
0x1: {  	(tag) =	ssettag $0x0;
	lr =	simm.s32 $0x1  }
0x2: {  	[smem:$0x3F9B] =	sst lr;
	_ =	strace $0xD0000000  }
0x3: {  	_ = 	snop  }
0x4: {  	_ = 	snop  }
0x5: {  	_ = 	snop  }
0x6: {  	_ = 	snop  }
0x7: {  	_ = 	snop  }
__scs_overlays_trampoline_lowered:
0x8: {  	[smem:$0x3FAA] =	sst s0  }
0x9: {  	[smem:$0x3FAB] =	sst s1  }
0xa: {  	[smem:$0x3FAC] =	sst s2  }
0xb: {  	[smem:$0x3FAD] =	sst s3  }
0xc: {  	[smem:$0x3FAE] =	sst s4  }
0xd: {  	[smem:$0x3FAF] =	sst s5  }
0xe: {  	[smem:$0x3FB0] =	sst s6  }
0xf: {  	[smem:$0x3FB1] =	sst s7  }
0x10: {  	[smem:$0x3FB2] =	sst s8  }
0x11: {  	[smem:$0x3FB3] =	sst s9;
	s0 =	simm.s32 @!p0 $0x0  }
0x12: {  	s1 =	sld [smem:$0x3F99];
	s0 =	simm.s32 @p0 $0x1  }
0x13: {  	[smem:$0x3FB4] =	sst s0;
	s0 =	simm.s32 @!p1 $0x0  }
0x14: {  	s2 =	sld [smem:$0x3F98];
	s0 =	simm.s32 @p1 $0x1  }
0x15: {  	[smem:$0x3FB5] =	sst s0;
	s0 =	simm.s32 @!p2 $0x0  }
0x16: {  	s3 =	sld [smem:$0x3FDB];
	s0 =	simm.s32 @p2 $0x1  }
0x17: {  	s4 =	simm.s32 $0x1BF5;
	[smem:$0x3FB7] =	sst s0  }
0x18: {  	s0 =	sld [smem:$0x3F9A];
	_ =	swait.ge [sflag:s4], $0x0  }
0x19: {  	s7 =	sld [smem:$0x3F9B]  }
0x1a: {  	s8 =	sadd.s32 $0xFFFFE003, lr  }
0x1b: {  	s9 =	sadd.s32 $0xFFFFFEF7, lr;
	s5 =	simm.s32 $0xFFFFFFFF;
	p2 =	slt.u32 s8, $0xFFFFF086  }
0x1c: {  	p1 =	slt.u32 s9, $0xF7A;
	s5 =	simm.s32 @!p2 $0x0  }
0x1d: {  	s5 =	simm.s32 @p1 $0x1;
	p0 =	seq.s32 s7, s2  }
0x1e: {  	s7 =	smul.u32 @!p0 $0xF7A, s2;
	p2 =	seq.s32 @!p0 s5, $0x0  }
0x1f: {  	s9 =	smul.u32 $0xF7A, s1;
	s8 =	simm.s32 @!p0 $0x1BF5;
	p2 =	por !p2, p0  }
0x20: {  	[sflag:s8] =	ssyncset.s32 @!p0 $0xFFFFF086;
	s6 =	sadd.s32 @!p0 s3, s7;
	s7 =	simm.s32 @!p0 $0x108  }
0x21: {  	s3 =	sadd.s32 s3, s9;
	s6 =	sadd.s32 @!p0 $0x88, s6;
	s7 =	simm.s32 @p2 $0x1082  }
0x22: {  	[simem:s7], [sflag:s8] =	dma.local @!p0 [hbm:s6], $0xF7A  }
0x23: {  	s9 =	sor.u32 $0xD0000000, s2;
	s6 =	simm.s32 $0x108;
	_ =	swait.ge @!p0 [sflag:s8], $0x0  }
0x24: {  	s3 =	sadd.s32 $0x88, s3;
	s6 =	simm.s32 @!p1 $0x1082;
	[sflag:s4] =	ssyncset.s32 $0xFFFFF086  }
0x25: {  	[simem:s6], [sflag:s4] =	dma.local [hbm:s3], $0xF7A  }
0x26: {  	[smem:$0x3F9B] =	sst s1;
	(tag) =	ssettag s2;
	_ =	strace s9  }
0x27: {  	s1 =	sld [smem:$0x3FAB]  }
0x28: {  	s2 =	sld [smem:$0x3FAC]  }
0x29: {  	s4 =	sld [smem:$0x3FAE]  }
0x2a: {  	p0 =	seq.s32 s5, $0x0;
	s5 =	sld [smem:$0x3FAF]  }
0x2b: {  	s6 =	sld [smem:$0x3FB0]  }
0x2c: {  	s7 =	sld [smem:$0x3FB1]  }
0x2d: {  	s3 =	simm.s32 $0x108;
	s8 =	sld [smem:$0x3FB2]  }
0x2e: {  	s3 =	simm.s32 @!p0 $0x1082;
	s9 =	sld [smem:$0x3FB3]  }
0x2f: {  	lr =	sadd.s32 s0, s3;
	s0 =	sld [smem:$0x3FAA]  }
0x30: {  	s3 =	sld [smem:$0x3FAD]  }
0x31: {  	[smem:$0x3FB6] =	sst s10  }
0x32: {  	s10 =	sld [smem:$0x3FB4];
	_ =	sdelay $0x3  }
0x33: {  	p0 =	seq.s32 s10, $0x1;
	s10 =	sld [smem:$0x3FB6];
	_ =	sdelay $0x3  }
0x34: {  	[smem:$0x3FB6] =	sst s10  }
0x35: {  	s10 =	sld [smem:$0x3FB5];
	_ =	sdelay $0x3  }
0x36: {  	p1 =	seq.s32 s10, $0x1;
	s10 =	sld [smem:$0x3FB6];
	_ =	sdelay $0x3  }
0x37: {  	[smem:$0x3FB6] =	sst s10  }
0x38: {  	s10 =	sld [smem:$0x3FB7]  }
0x39: {  	_ = 	snop;
	(pc) =	sbr.ind lr, $3  }
0x3a: {  	_ = 	snop  }
0x3b: {  	_ = 	snop  }
0x3c: {  	p2 =	seq.s32 s10, $0x1;
	s10 =	sld [smem:$0x3FB6]  }
0x3d: {  	_ =	shalt  }
0x3e: {  	_ =	shalt  }
0x3f: {  	_ =	shalt  }
0x40: {  	_ =	shalt  }
0x41: {  	_ =	shalt  }
0x42: {  	_ =	shalt  }
0x43: {  	_ =	shalt  }
0x44: {  	_ =	shalt  }
0x45: {  	_ =	shalt  }
0x46: {  	_ =	shalt  }
0x47: {  	_ =	shalt  }
0x48: {  	_ =	shalt  }
0x49: {  	_ =	shalt  }
0x4a: {  	_ =	shalt  }
0x4b: {  	_ =	shalt  }
0x4c: {  	_ =	shalt  }
0x4d: {  	_ =	shalt  }
0x4e: {  	_ =	shalt  }
0x4f: {  	_ =	shalt  }
0x50: {  	_ =	shalt  }
0x51: {  	_ =	shalt  }
0x52: {  	_ =	shalt  }
0x53: {  	_ =	shalt  }
0x54: {  	_ =	shalt  }
0x55: {  	_ =	shalt  }
0x56: {  	_ =	shalt  }
0x57: {  	_ =	shalt  }
0x58: {  	_ =	shalt  }
0x59: {  	_ =	shalt  }
0x5a: {  	_ =	shalt  }
0x5b: {  	_ =	shalt  }
0x5c: {  	_ =	shalt  }
0x5d: {  	_ =	shalt  }
0x5e: {  	_ =	shalt  }
0x5f: {  	_ =	shalt  }
0x60: {  	_ =	shalt  }
0x61: {  	_ =	shalt  }
0x62: {  	_ =	shalt  }
0x63: {  	_ =	shalt  }
0x64: {  	_ =	shalt  }
0x65: {  	_ =	shalt  }
0x66: {  	_ =	shalt  }
0x67: {  	_ =	shalt  }
0x68: {  	_ =	shalt  }
0x69: {  	_ =	shalt  }
0x6a: {  	_ =	shalt  }
0x6b: {  	_ =	shalt  }
0x6c: {  	_ =	shalt  }
0x6d: {  	_ =	shalt  }
0x6e: {  	_ =	shalt  }
0x6f: {  	_ =	shalt  }
0x70: {  	_ =	shalt  }
0x71: {  	_ =	shalt  }
0x72: {  	_ =	shalt  }
0x73: {  	_ =	shalt  }
0x74: {  	_ =	shalt  }
0x75: {  	_ =	shalt  }
0x76: {  	_ =	shalt  }
0x77: {  	_ =	shalt  }
0x78: {  	_ =	shalt  }
0x79: {  	_ =	shalt  }
0x7a: {  	_ =	shalt  }
0x7b: {  	_ =	shalt  }
0x7c: {  	_ =	shalt  }
0x7d: {  	_ =	shalt  }
0x7e: {  	_ =	shalt  }
0x7f: {  	_ =	shalt  }
0x80: {  	_ =	shalt  }
0x81: {  	_ =	shalt  }
0x82: {  	_ =	shalt  }
0x83: {  	_ =	shalt  }
0x84: {  	_ =	shalt  }
0x85: {  	_ =	shalt  }
0x86: {  	_ =	shalt  }
0x87: {  	_ =	shalt  }
.Lfunc_end0:
.L_simem_size_0:
called_computation_lowered:
.L_overlay_start_0:
0x88: {  	s2 =	sld [smem:$0x3FD9]  }
0x89: {  	s3 =	sld [smem:$0x3FFE];
	_ =	sdelay $0x1  }
0x8a: {  	s1 =	srdreg.scid  }
0x8b: {  	s0 =	sand.u32 $0x1, s1  }
0x8c: {  	s17 =	sshll.u32 s0, $0xA;
	s2 =	sadd.s32 s3, s2  }
0x8d: {  	s2 =	sadd.s32 s2, s17  }
0x8e: {  	[smem:$0x3FC2] =	sst s2  }
0x8f: {  	_ = 	snop  }
0x90: {  	s2 =	sld [smem:$0x3FD0];
	(tm) =	ssettm $0x1  }
0x91: {  	s18 =	sld [smem:$0x3FFB];
	_ =	sdelay $0x3  }
0x92: {  	_ =	strace s18  }
0x93: {  	s3 =	sld [smem:$0x3FFC];
	_ =	sdelay $0x3  }
0x94: {  	_ =	strace s3  }
0x95: {  	s3 =	sld [smem:$0x3FFD];
	_ =	sdelay $0x3  }
0x96: {  	_ =	strace s3  }
0x97: {  	_ =	strace $0x8FFFFFFF  }
0x98: {  	s19 =	sld [smem:$0x3FDB];
	_ =	sdelay $0x1  }
0x99: {  	s4 =	simm.s32 $_scs_section_size  }
0x9a: {  	s5 =	simm.s32 $_size__tile_overlayer_lowered;
	s6 =	simm.s32 $_tile_overlayer_lowered  }
0x9b: {  	s22 =	simm.s32 $0x1BFF;
	s21 =	sshll.u32 s6, $0x1;
	s3 =	sadd.s32 s4, s19  }
0x9c: {  	s7 =	simm.s32 $0x0;
	s20 =	sshll.u32 s5, $0x1;
	s5 =	sadd.s32 s21, s3  }
0x9d: {  	[timem:s7], [sflag:s22] =	dma.local [hbm:s5], s20  }
0x9e: {  	_ =	swait.ge [sflag:s22], s20  }
0x9f: {  	s4 =	ssub.s32 $0x0, s20;
	[sflag:s22] =	ssyncset.done $0x0  }
0xa0: {  	[sflag:s22] =	ssyncadd.s32 s4;
	_ =	sdelay $0x1  }
0xa1: {  	s23 =	simm.s32 $0x1B8B  }
0xa2: {  	_ =	swait.ge [sflag:s23], $0x1  }
0xa3: {  	[sflag:s23] =	ssyncset.done $0x0  }
0xa4: {  	s25 =	simm.s32 $0x1B8E;
	s24 =	sld [smem:$0x3FFE];
	[sflag:s23] =	ssyncadd.s32 $0xFFFFFFFF  }
0xa5: {  	s26 =	simm.s32 $execute0_lowered;
	[smem:$0x3FD2] =	sst s25  }
0xa6: {  	s5 =	sshll.u32 s26, $0x1;
	_ =	strace $0x80000046;
	[dreg:$0x1] =	wrdreg $0xFFFFFFFF  }
0xa7: {  	s28 =	simm.s32 $_size_execute0_lowered;
	s3 =	sadd.s32 s3, s5;
	[dreg:$0x0] =	wrdreg $0x0  }
0xa8: {  	s5 =	sshll.u32 s28, $0x1;
	[dreg:$0x2] =	wrdreg s3  }
0xa9: {  	[dreg:$0x3] =	wrdreg s5  }
0xaa: {  	[dreg:$0x4] =	wrdreg $0xC0  }
0xab: {  	_ =	task [dreg:s7], $0x5FFFF  }
0xac: {  	[dreg:$0x1] =	wrdreg $0xFFFFFFFF  }
0xad: {  	[dreg:$0x0] =	wrdreg $0x60  }
0xae: {  	[dreg:$0x2] =	wrdreg s24  }
0xaf: {  	[dreg:$0x3] =	wrdreg s2  }
0xb0: {  	[dreg:$0x4] =	wrdreg $0x0  }
0xb1: {  	[dreg:$0x5] =	wrdreg $0x9  }
0xb2: {  	_ =	task.clear_ibuf [dreg:s7], $0x6FFFF;
	_ =	strace $0x90000046  }
0xb3: {  	s29 =	simm.s32 $0x9;
	_ =	strace $0x80000048  }
0xb4: {  	_ =	swait.ge [sflag:s29], $0x1  }
0xb5: {  	[sflag:s29] =	ssyncadd.s32 $0xFFFFFFFF  }
0xb6: {  	_ =	strace $0x90000048  }
0xb7: {  	_ =	sfence  }
0xb8: {  	s30 =	sld [smem:$0x0];
	_ =	sdelay $0x2  }
0xb9: {  	s31 =	sshll.u32 s1, $0xD;
	s1 =	sshrl.u32 s1, $0x2  }
0xba: {  	s3 =	sand.u32 $0x4000, s31;
	s1 =	sadd.s32 s1, s30  }
0xbb: {  	s0 =	sor.u32 s3, s0;
	s1 =	sshll.u32 s1, $0x11  }
0xbc: {  	s0 =	sor.u32 s1, s0  }
0xbd: {  	s0 =	sadd.s32 $0x8F2B, s0  }
0xbe: {  	[sflag:s0] =	ssyncadd.remote.s32 $0x1  }
0xbf: {  	_ =	sfence.sel $0xFFFF  }
0xc0: {  	[dreg:$0x0] =	wrdreg $0xFFFFFFFF;
	(pc) =	sbr.abs _section_cstart, $3  }
0xc1: {  	[dreg:$0x1] =	wrdreg $0xFFFFFFFF  }
0xc2: {  	_ =	task.clear_ibuf [dreg:s7], $0x2FFFF;
	_ =	strace $0x9FFFFFFF  }
0xc3: {  	(tm) =	ssettm $0x7FFFFFFF  }
tec
execute0_lowered:
.L_overlay_start_1:
0x0: {  	(tag) =	ssettag $0x1  }
0x1: {  	s0 =	rddreg [dreg:$0x0]  }
0x2: {  	s1 =	rddreg [dreg:$0x1]  }
0x3: {  	s3 =	srdreg.scid;
	s10 =	stileid.u32  }
0x4: {  	s2 =	rddreg [dreg:$0x2];
	s6 =	smul.u32 $0x14000, s10  }
0x5: {  	s31 =	simm.s32 $0x14400;
	s5 =	sand.u32 $0x1, s3;
	s7 =	smul.u32 $0x50000, s10  }
0x6: {  	s3 =	simm.s32 $0x0;
	s13 =	sadd.s32 $0x600, s0;
	s4 =	smul.u32 $0x140000, s5  }
0x7: {  	[smem:$0x7FF] =	sst s3;
	s14 =	ssub.s32 $0x2, s5;
	s8 =	sshll.u32 s5, $0x4  }
0x8: {  	s5 =	smul.u32 $0x27100, s5;
	_ =	strace $0x80000047;
	s4 =	sadd.s32 s6, s4  }
0x9: {  	s9 =	sshrl.u32 s14, $0x1;
	s7 =	sshrl.u32 s7, $0x2;
	s4 =	sshrl.u32 s4, $0x3  }
0xa: {  	s8 =	sor.u32 s10, s8;
	s0 =	sadd.s32 s4, s0;
	s4 =	sadd.s32 s7, s2  }
0xb: {  	s10 =	smul.u32 $0x2710, s10;
	s9 =	ssub.s32 s14, s9;
	s7 =	sadd.s32 $0x1400, s4  }
0xc: {  	s8 =	smul.u32 $0x2710, s8;
	s15 =	sadd.s32 $0x2800, s4;
	[dreg:$0x4] =	wrdreg s7  }
0xd: {  	s6 =	simm.s32 $0x1;
	s16 =	sadd.s32 $0x3C00, s4;
	[dreg:$0x5] =	wrdreg s15  }
0xe: {  	s5 =	sadd.s32 s10, s5;
	s17 =	sadd.s32 $0x5000, s4;
	[dreg:$0x6] =	wrdreg s16  }
0xf: {  	s10 =	simm.s32 $0x0;
	s18 =	sadd.s32 $0x6400, s4;
	[dreg:$0x7] =	wrdreg s17  }
0x10: {  	s23 =	sshrl.u32 s8, $0x3;
	s19 =	sadd.s32 $0x7800, s4;
	[dreg:$0x8] =	wrdreg s18  }
0x11: {  	s8 =	sadd.s32 $0x28, s8;
	s20 =	sadd.s32 $0x8C00, s4;
	[dreg:$0x9] =	wrdreg s19  }
0x12: {  	s5 =	sadd.s32 $0x78, s5;
	s21 =	sadd.s32 $0xA000, s4;
	[dreg:$0xa] =	wrdreg s20  }
0x13: {  	s22 =	sadd.s32 $0xB400, s4;
	s11 =	sadd.s32 $0xC800, s4;
	[dreg:$0xb] =	wrdreg s21  }
0x14: {  	s24 =	sadd.s32 s13, s23;
	s25 =	sadd.s32 s1, s23;
	[dreg:$0xc] =	wrdreg s22  }
0x15: {  	s8 =	sshrl.u32 s8, $0x3;
	s5 =	sshrl.u32 s5, $0x3;
	[dreg:$0xd] =	wrdreg s11  }
0x16: {  	s28 =	sadd.s32 $0x10400, s4;
	s29 =	sadd.s32 $0x11800, s4;
	[dreg:$0xe] =	wrdreg s24  }
0x17: {  	s30 =	sadd.s32 $0x12C00, s4;
	[dreg:$0xf] =	wrdreg s25;
	s26 =	sadd.s32 s13, s8  }
0x18: {  	s7 =	sadd.s32 $0xA, s23;
	s18 =	sadd.s32 s1, s8;
	s15 =	sadd.s32 s5, s1  }
.Ltmp0:
0x19: {  	s14 =	sadd.s32 s5, s13;
	s23 =	sadd.s32 $0xDC00, s4;
	(pc) =	sbr.rel .LBB2_1-.Ltmp0, $4  }
0x1a: {  	s24 =	sadd.s32 $0xA400, s0;
	s25 =	smax.u32 s9, $0x1;
	s0 =	simm.s32 $0x4  }
0x1b: {  	s5 =	simm.s32 $0x14280;
	s8 =	simm.s32 $0x2;
	s9 =	simm.s32 $0x3  }
0x1c: {  	[dreg:$0x10] =	wrdreg s26;
	s19 =	sadd.s32 s13, s7;
	s20 =	sadd.s32 s1, s7  }
0x1d: {  	v0 =	vimm.f32 $0.0e+00;
	s26 =	sadd.s32 $0xF000, s4;
	s1 =	simm.s32 $0x14200;
	s7 =	simm.s32 $0x28  }
.LBB2_9:
0x1e: {  	_ =	swait.ge [sflag:s9], $0x1400;
	s11 =	stileid.u32  }
0x1f: {  	s12 =	sshrl.u32 s4, $0x3;
	s10 =	sadd.s32 $0x1, s10;
	[sflag:s9] =	ssyncset.done $0x0  }
0x20: {  	s11 =	sshll.u32 s11, $0x6;
	p0 =	sne.s32 s10, s25;
	[sflag:s9] =	ssyncadd.s32 $0xFFFFEC00  }
.Ltmp1:
0x21: {  	s11 =	sor.u32 $0x1C04, s11;
	[bflag:$0x0] =	sbarrier.arrive $0xFFFF;
	(pc) =	sbr.rel @!p0 .LBB2_10-.Ltmp1, $4  }
0x22: {  	[hbm:s24], [sflag:s11] =	dma.local [spmem:s12], $0x2800  }
0x23: {  	_ =	swait.ge [sflag:s0], $0x2800  }
0x24: {  	[sflag:s0] =	ssyncset.done $0x0  }
0x25: {  	[sflag:s0] =	ssyncadd.s32 $0xFFFFD800  }
.LBB2_1:
0x26: {  	s11 =	sand.u32 $0x7E00, s3  }
0x27: {  	s12 =	sand.u32 $0x70, s3;
	s13 =	sshrl.u32 s11, $0x2  }
0x28: {  	s11 =	simm.s32 $0x40;
	s13 =	sor.u32 s12, s13;
	s12 =	simm.s32 $0x0  }
.LBB2_2:
0x29: {  	p0 =	sne.s32 s11, $0x4FC0  }
0x2a: {  	[tilespmem:s13+$0x14400] =	vst v0;
	s12 =	sadd.s32 $0x10, s12;
	s13 =	smov.u32 s11;
	s11 =	sadd.s32 $0x40, s11  }
.Ltmp2:
0x2b: {  	(pc) =	sbr.rel @p0 .LBB2_2-.Ltmp2, $4  }
0x2c: {  	_ = 	snop  }
0x2d: {  	s13 =	sand.u32 $0x7E00, s13  }
0x2e: {  	s21 =	sand.u32 $0x70, s12;
	s13 =	sshrl.u32 s13, $0x2  }
0x2f: {  	s13 =	sor.u32 s21, s13  }
0x30: {  	[tilespmem:s13+$0x14400] =	vst v0  }
0x31: {  	[spmem:s4] =	stream.linear.scatter [tilespmem:s31], [sflag:$0x4], $0x1400, $0x38;
	[tilespmem:$0x18000] =	vst v63  }
0x32: {  	_ =	swait.ge [sflag:s0], $0x1400  }
0x33: {  	[sflag:s0] =	ssyncset.done $0x0  }
0x34: {  	s11 =	rddreg [dreg:$0x4];
	[sflag:s0] =	ssyncadd.s32 $0xFFFFEC00  }
0x35: {  	[spmem:s11] =	stream.linear.scatter [tilespmem:s31], [sflag:$0x4], $0x1400, $0x38;
	[tilespmem:$0x18000] =	vst v63  }
0x36: {  	_ =	swait.ge [sflag:s0], $0x1400  }
0x37: {  	[sflag:s0] =	ssyncset.done $0x0  }
0x38: {  	s13 =	rddreg [dreg:$0x5];
	[sflag:s0] =	ssyncadd.s32 $0xFFFFEC00  }
0x39: {  	[spmem:s13] =	stream.linear.scatter [tilespmem:s31], [sflag:$0x4], $0x1400, $0x38;
	[tilespmem:$0x18000] =	vst v63  }
0x3a: {  	_ =	swait.ge [sflag:s0], $0x1400  }
0x3b: {  	[sflag:s0] =	ssyncset.done $0x0  }
0x3c: {  	s16 =	rddreg [dreg:$0x6];
	[sflag:s0] =	ssyncadd.s32 $0xFFFFEC00  }
0x3d: {  	[spmem:s16] =	stream.linear.scatter [tilespmem:s31], [sflag:$0x4], $0x1400, $0x38;
	[tilespmem:$0x18000] =	vst v63  }
0x3e: {  	_ =	swait.ge [sflag:s0], $0x1400  }
0x3f: {  	[sflag:s0] =	ssyncset.done $0x0  }
0x40: {  	s17 =	rddreg [dreg:$0x7];
	[sflag:s0] =	ssyncadd.s32 $0xFFFFEC00  }
0x41: {  	[spmem:s17] =	stream.linear.scatter [tilespmem:s31], [sflag:$0x4], $0x1400, $0x38;
	[tilespmem:$0x18000] =	vst v63  }
0x42: {  	_ =	swait.ge [sflag:s0], $0x1400  }
0x43: {  	[sflag:s0] =	ssyncset.done $0x0  }
0x44: {  	s21 =	rddreg [dreg:$0x8];
	[sflag:s0] =	ssyncadd.s32 $0xFFFFEC00  }
0x45: {  	[spmem:s21] =	stream.linear.scatter [tilespmem:s31], [sflag:$0x4], $0x1400, $0x38;
	[tilespmem:$0x18000] =	vst v63  }
0x46: {  	_ =	swait.ge [sflag:s0], $0x1400  }
0x47: {  	[sflag:s0] =	ssyncset.done $0x0  }
0x48: {  	s22 =	rddreg [dreg:$0x9];
	[sflag:s0] =	ssyncadd.s32 $0xFFFFEC00  }
0x49: {  	[spmem:s22] =	stream.linear.scatter [tilespmem:s31], [sflag:$0x4], $0x1400, $0x38;
	[tilespmem:$0x18000] =	vst v63  }
0x4a: {  	_ =	swait.ge [sflag:s0], $0x1400  }
0x4b: {  	[sflag:s0] =	ssyncset.done $0x0  }
0x4c: {  	s12 =	rddreg [dreg:$0xa];
	[sflag:s0] =	ssyncadd.s32 $0xFFFFEC00  }
0x4d: {  	[spmem:s12] =	stream.linear.scatter [tilespmem:s31], [sflag:$0x4], $0x1400, $0x38;
	[tilespmem:$0x18000] =	vst v63  }
0x4e: {  	_ =	swait.ge [sflag:s0], $0x1400  }
0x4f: {  	[sflag:s0] =	ssyncset.done $0x0  }
0x50: {  	s13 =	rddreg [dreg:$0xb];
	[sflag:s0] =	ssyncadd.s32 $0xFFFFEC00  }
0x51: {  	[spmem:s13] =	stream.linear.scatter [tilespmem:s31], [sflag:$0x4], $0x1400, $0x38;
	[tilespmem:$0x18000] =	vst v63  }
0x52: {  	_ =	swait.ge [sflag:s0], $0x1400  }
0x53: {  	[sflag:s0] =	ssyncset.done $0x0  }
0x54: {  	s16 =	rddreg [dreg:$0xc];
	[sflag:s0] =	ssyncadd.s32 $0xFFFFEC00  }
0x55: {  	[spmem:s16] =	stream.linear.scatter [tilespmem:s31], [sflag:$0x4], $0x1400, $0x38;
	[tilespmem:$0x18000] =	vst v63  }
0x56: {  	_ =	swait.ge [sflag:s0], $0x1400  }
0x57: {  	[sflag:s0] =	ssyncset.done $0x0  }
0x58: {  	s17 =	rddreg [dreg:$0xd];
	[sflag:s0] =	ssyncadd.s32 $0xFFFFEC00  }
0x59: {  	[spmem:s17] =	stream.linear.scatter [tilespmem:s31], [sflag:$0x4], $0x1400, $0x38;
	[tilespmem:$0x18000] =	vst v63  }
0x5a: {  	_ =	swait.ge [sflag:s0], $0x1400  }
0x5b: {  	[sflag:s0] =	ssyncset.done $0x0  }
0x5c: {  	[sflag:s0] =	ssyncadd.s32 $0xFFFFEC00  }
0x5d: {  	[spmem:s23] =	stream.linear.scatter [tilespmem:s31], [sflag:$0x4], $0x1400, $0x38;
	[tilespmem:$0x18000] =	vst v63  }
0x5e: {  	_ =	swait.ge [sflag:s0], $0x1400  }
0x5f: {  	[sflag:s0] =	ssyncset.done $0x0  }
0x60: {  	[sflag:s0] =	ssyncadd.s32 $0xFFFFEC00  }
0x61: {  	[spmem:s26] =	stream.linear.scatter [tilespmem:s31], [sflag:$0x4], $0x1400, $0x38;
	[tilespmem:$0x18000] =	vst v63  }
0x62: {  	_ =	swait.ge [sflag:s0], $0x1400  }
0x63: {  	[sflag:s0] =	ssyncset.done $0x0  }
0x64: {  	[sflag:s0] =	ssyncadd.s32 $0xFFFFEC00  }
0x65: {  	[spmem:s28] =	stream.linear.scatter [tilespmem:s31], [sflag:$0x4], $0x1400, $0x38;
	[tilespmem:$0x18000] =	vst v63  }
0x66: {  	_ =	swait.ge [sflag:s0], $0x1400  }
0x67: {  	[sflag:s0] =	ssyncset.done $0x0  }
0x68: {  	[sflag:s0] =	ssyncadd.s32 $0xFFFFEC00  }
0x69: {  	[spmem:s29] =	stream.linear.scatter [tilespmem:s31], [sflag:$0x4], $0x1400, $0x38;
	[tilespmem:$0x18000] =	vst v63  }
0x6a: {  	_ =	swait.ge [sflag:s0], $0x1400  }
0x6b: {  	[sflag:s0] =	ssyncset.done $0x0  }
0x6c: {  	[sflag:s0] =	ssyncadd.s32 $0xFFFFEC00  }
0x6d: {  	[spmem:s30] =	stream.linear.scatter [tilespmem:s31], [sflag:$0x4], $0x1400, $0x38;
	[tilespmem:$0x18000] =	vst v63  }
0x6e: {  	_ =	swait.ge [sflag:s0], $0x1400  }
0x6f: {  	[sflag:s0] =	ssyncset.done $0x0  }
0x70: {  	[sflag:s0] =	ssyncadd.s32 $0xFFFFEC00  }
0x71: {  	[bflag:$0x0] =	sbarrier.arrive $0xFFFF  }
0x72: {  	s11 =	simm.s32 $0x0;
	s21 =	simm.s32 $0x14000;
	s12 =	rddreg [dreg:$0xe]  }
0x73: {  	[tilespmem:s21], [sflag:$0x1] =	stream.linear.gather [hbm4b:s12+s11], $0x28, $0x38;
	[tilespmem:$0x18000] =	vst v63  }
0x74: {  	s22 =	rddreg [dreg:$0xf]  }
0x75: {  	[tilespmem:s1], [sflag:$0x1] =	stream.linear.gather [hbm4b:s22+s11], $0x28, $0x38;
	[tilespmem:$0x18000] =	vst v63  }
0x76: {  	s16 =	simm.s32 $0x14080;
	s13 =	rddreg [dreg:$0x10]  }
0x77: {  	[tilespmem:s16], [sflag:$0x1] =	stream.linear.gather [hbm4b:s13+s11], $0x28, $0x38;
	[tilespmem:$0x18000] =	vst v63  }
0x78: {  	_ = 	snop  }
0x79: {  	[tilespmem:s5], [sflag:$0x1] =	stream.linear.gather [hbm4b:s18+s11], $0x28, $0x38;
	[tilespmem:$0x18000] =	vst v63  }
0x7a: {  	s17 =	simm.s32 $0x14100  }
0x7b: {  	[tilespmem:s17], [sflag:$0x1] =	stream.linear.gather [hbm4b:s19+s11], $0x28, $0x38;
	[tilespmem:$0x18000] =	vst v63  }
0x7c: {  	s21 =	simm.s32 $0x14300  }
0x7d: {  	[tilespmem:s21], [sflag:$0x1] =	stream.linear.gather [hbm4b:s20+s11], $0x28, $0x38;
	[tilespmem:$0x18000] =	vst v63  }
0x7e: {  	_ =	swait.ge [sflag:s6], $0x28  }
0x7f: {  	[sflag:s6] =	ssyncset.done $0x0  }
0x80: {  	[sflag:s6] =	ssyncadd.s32 $0xFFFFFFD8  }
0x81: {  	_ =	swait.ge [sflag:s6], $0x28  }
0x82: {  	[sflag:s6] =	ssyncset.done $0x0  }
0x83: {  	[sflag:s6] =	ssyncadd.s32 $0xFFFFFFD8  }
0x84: {  	[tilespmem:s31], [sflag:$0x2] =	stream.indirect.gather [spmem:s2], $0x80, s1, s7, $0xb8;
	[tilespmem:$0x18000] =	vst v63  }
0x85: {  	_ =	swait.ge [sflag:s6], $0x28  }
0x86: {  	[sflag:s6] =	ssyncset.done $0x0  }
0x87: {  	[sflag:s6] =	ssyncadd.s32 $0xFFFFFFD8  }
.Ltmp3:
0x88: {  	_ =	swait.ge [sflag:s6], $0x28;
	(pc) =	sbr.rel .LBB2_4-.Ltmp3, $4  }
0x89: {  	[sflag:s6] =	ssyncset.done $0x0  }
0x8a: {  	s12 =	simm.s32 $0x400;
	s22 =	simm.s32 $0x15800;
	[sflag:s6] =	ssyncadd.s32 $0xFFFFFFD8  }
0x8b: {  	[tilespmem:s22], [sflag:$0x2] =	stream.indirect.gather [spmem:s2], $0x80, s5, s7, $0xb8;
	[tilespmem:$0x18000] =	vst v63  }
0x8c: {  	s13 =	simm.s32 $0x180;
	s21 =	smov.u32 s15;
	s22 =	smov.u32 s14  }
.LBB2_5:
0x8d: {  	s16 =	sand.u32 $0x180, s13  }
0x8e: {  	s17 =	sor.u32 $0x14000, s16  }
0x8f: {  	[tilespmem:s17], [sflag:$0x1] =	stream.linear.gather [hbm4b:s22+s3], $0x28, $0x38;
	[tilespmem:$0x18000] =	vst v63  }
0x90: {  	s16 =	sor.u32 $0x14200, s16  }
0x91: {  	[tilespmem:s16], [sflag:$0x1] =	stream.linear.gather [hbm4b:s21+s3], $0x28, $0x38;
	[tilespmem:$0x18000] =	vst v63  }
.LBB2_7:
0x92: {  	s16 =	sadd.s32 $0x2, s11  }
0x93: {  	s17 =	smul.u32 $0xAB, s16;
	_ =	sdelay $0x1  }
0x94: {  	s17 =	sshrl.u32 s17, $0x9  }
0x95: {  	s17 =	sand.u32 $0x7F, s17  }
0x96: {  	s17 =	smul.u32 $0x3, s17;
	_ =	sdelay $0x1  }
0x97: {  	_ =	swait.ge [sflag:s6], $0x28;
	s16 =	ssub.s32 s16, s17  }
0x98: {  	[sflag:s6] =	ssyncset.done $0x0;
	s16 =	sand.u32 $0xFF, s16  }
0x99: {  	[sflag:s6] =	ssyncadd.s32 $0xFFFFFFD8;
	s16 =	smul.u32 $0x5000, s16  }
0x9a: {  	_ =	swait.ge [sflag:s6], $0x28;
	s17 =	sand.u32 $0x600, s12  }
0x9b: {  	[sflag:s6] =	ssyncset.done $0x0;
	s17 =	sshrl.u32 s17, $0x2;
	s16 =	sshrl.u32 s16, $0x2  }
0x9c: {  	[sflag:s6] =	ssyncadd.s32 $0xFFFFFFD8;
	s17 =	sor.u32 $0x14200, s17;
	s16 =	sadd.s32 $0x14400, s16  }
0x9d: {  	[tilespmem:s16], [sflag:$0x2] =	stream.indirect.gather [spmem:s2], $0x80, s17, s7, $0xb8;
	[tilespmem:$0x18000] =	vst v63  }
.LBB2_8:
0x9e: {  	s11 =	sadd.s32 $0x1, s11  }
0x9f: {  	p0 =	sne.s32 s11, $0xFA  }
.Ltmp4:
0xa0: {  	_ = 	snop;
	(pc) =	sbr.rel @!p0 .LBB2_9-.Ltmp4, $3  }
0xa1: {  	_ =	sdelay $0x1  }
0xa2: {  	s12 =	sadd.s32 $0x200, s12  }
0xa3: {  	s13 =	sadd.s32 $0x80, s13;
	s21 =	sadd.s32 $0x5, s21;
	s22 =	sadd.s32 $0x5, s22  }
.LBB2_4:
0xa4: {  	s16 =	smul.u32 $0xAB, s11;
	_ =	sdelay $0x1  }
0xa5: {  	s16 =	sshrl.u32 s16, $0x9  }
0xa6: {  	s16 =	sand.u32 $0x7F, s16  }
0xa7: {  	s16 =	smul.u32 $0x3, s16;
	_ =	sdelay $0x1  }
0xa8: {  	s16 =	ssub.s32 s11, s16  }
0xa9: {  	s17 =	sadd.s32 $0xFFFFFC00, s12;
	s16 =	sand.u32 $0xFF, s16  }
0xaa: {  	_ =	swait.ge [sflag:s8], $0x1400;
	p0 =	seq.s32 s11, $0x0;
	s16 =	smul.u32 $0x5000, s16  }
0xab: {  	s17 =	sand.u32 $0x600, s17;
	[sflag:s8] =	ssyncset.done $0x0;
	p1 =	sgt.u32 @!p0 s11, $0xF6  }
0xac: {  	s17 =	sshrl.u32 s17, $0x2;
	[sflag:s8] =	ssyncadd.s32 $0xFFFFEC00;
	s16 =	sshrl.u32 s16, $0x2  }
0xad: {  	p1 =	por p0, !p1;
	s17 =	sor.u32 $0x14000, s17;
	s16 =	sadd.s32 $0x14400, s16  }
0xae: {  	[spmem:s2] =	stream.indirect.scatter.add.f32 [tilespmem:s16], [sflag:$0x3], $0x80, s17, s7, $0xb8;
	[tilespmem:$0x18000] =	vst v63  }
.Ltmp5:
0xaf: {  	_ = 	snop;
	(pc) =	sbr.rel @p1 .LBB2_5-.Ltmp5, $4  }
0xb0: {  	s16 =	simm.s32 @!p0 $0x3  }
0xb1: {  	_ =	swait.ge @!p0 [sflag:s16], $0x1400  }
0xb2: {  	[sflag:s16] =	ssyncset.done @!p0 $0x0  }
0xb3: {  	[sflag:s16] =	ssyncadd.s32 @!p0 $0xFFFFEC00  }
0xb4: {  	p0 =	sne.s32 s11, $0xF7  }
.Ltmp6:
0xb5: {  	_ = 	snop;
	(pc) =	sbr.rel @p0 .LBB2_8-.Ltmp6, $4  }
.Ltmp7:
0xb6: {  	_ = 	snop;
	(pc) =	sbr.rel @!p0 .LBB2_7-.Ltmp7, $4  }
0xb7: {  	_ = 	snop  }
0xb8: {  	_ = 	snop  }
0xb9: {  	_ = 	snop  }
0xba: {  	_ = 	snop  }
.LBB2_10:
0xbb: {  	_ =	sfence.sel $0x180000  }
0xbc: {  	[bflag:$0x0] =	sbarrier.arrive $0xFFFF  }
0xbd: {  	_ =	strace $0x90000047  }
0xbe: {  	s0 =	stileid.u32;
	[bflag:$0x2] =	sbarrier.arrive $0xFFFF  }
0xbf: {  	p0 =	sne.s32 s0, $0x0;
	s0 =	rddreg [dreg:$0x3]  }
0xc0: {  	s0 =	sadd.s32 @!p0 $0x100000, s0  }
0xc1: {  	[sflag:s0] =	ssyncadd.tile.s32 @!p0 $0x1;
	_ =	shalt  }
.Lfunc_end2:
_tile_overlayer_lowered:
.L_overlay_start_2:
0xc2: {  	(tag) =	ssettag $0x2  }
0xc3: {  	s0 =	rddreg [dreg:$0x0];
	s2 =	stileid.u32  }
0xc4: {  	s1 =	rddreg [dreg:$0x1];
	p0 =	sne.s32 s2, $0x0  }
0xc5: {  	s3 =	rddreg [dreg:$0x2];
	[bflag:$0x3] =	sbarrier.arrive $0xFFFF;
	s2 =	simm.s32 @!p0 $0x1C04  }
0xc6: {  	[timem:s3], [sflag:s2] =	dma.local @!p0 [hbm:s0], s1  }
0xc7: {  	s0 =	simm.s32 @!p0 $0x4  }
0xc8: {  	_ =	swait.ge @!p0 [sflag:s0], s1  }
0xc9: {  	s1 =	ssub.s32 @!p0 $0x0, s1;
	[sflag:s0] =	ssyncset.done @!p0 $0x0  }
0xca: {  	[sflag:s0] =	ssyncadd.s32 @!p0 s1  }
0xcb: {  	[bflag:$0x3] =	sbarrier.arrive $0xFFFF  }
0xcc: {  	_ =	shalt  }

</sc_bundles>
